<compile_context>
chip_gen: v7x
topology: tpu7x:2x2x1
jax: 0.10.2.dev20260603
libtpu: 0.0.44.dev20260713+nightly
codegen_flags: <defaults>
</compile_context>

<pallas_src>
import functools

import jax
import jax.numpy as jnp
from jax import lax
from jax.experimental import pallas as pl
from jax.experimental.pallas import tpu as pltpu
from jax.experimental.pallas import tpu_sc as plsc

_B, _C, _H, _W = 4, 96, 224, 224

_C_SC = 32

_CB = 16
_K = (_C - _C_SC) // _CB
_KOFF = _C_SC // _CB


def _mse_body(o_ref, m_ref, g_ref, out_ref):
    k = pl.program_id(1)

    @pl.when(k == 0)
    def _init():
        out_ref[...] = jnp.zeros_like(out_ref)

    o = o_ref[...]
    m = m_ref[...]
    g = g_ref[...]
    d = (o - g) * m
    s1v = jnp.sum(d * d, axis=(0, 1, 2))
    s2v = jnp.sum(m, axis=(0, 1, 2))
    out_ref[0, 0, :] += s1v
    out_ref[0, 1, :] += s2v


def _tc_partial_sums(o, m, g, interpret=False):
    spec = pl.BlockSpec((1, _CB, _H, _W), lambda b, k: (b, k + _KOFF, 0, 0))
    return pl.pallas_call(
        _mse_body,
        grid=(_B, _K),
        in_specs=[spec, spec, spec],
        out_specs=pl.BlockSpec((1, 2, _W), lambda b, k: (b, 0, 0)),
        out_shape=jax.ShapeDtypeStruct((_B, 2, _W), jnp.float32),
        interpret=interpret,
    )(o, m, g)


_NC, _NS = 2, 16
_NW = _NC * _NS
_WPB = _NW // _B
_CPW = _C_SC // _WPB
_QH = _H // 4
_NCH = _CPW * 4
_VECS = _W // 16

_sc_mesh = plsc.VectorSubcoreMesh(core_axis_name="c", subcore_axis_name="s")


@functools.partial(
    pl.kernel,
    out_type=jax.ShapeDtypeStruct((_NW, 2, 16), jnp.float32),
    mesh=_sc_mesh,
    cost_estimate=pl.CostEstimate(
        flops=5 * _B * _C_SC * _H * _W,
        bytes_accessed=3 * 4 * _B * _C_SC * _H * _W,
        transcendentals=0,
    ),
    scratch_types=[
        pltpu.VMEM((2, _QH, _W), jnp.float32),
        pltpu.VMEM((2, _QH, _W), jnp.float32),
        pltpu.VMEM((2, _QH, _W), jnp.float32),
        pltpu.VMEM((2, 16), jnp.float32),
        pltpu.SemaphoreType.DMA((2,)),
        pltpu.SemaphoreType.DMA((2,)),
        pltpu.SemaphoreType.DMA((2,)),
    ],
)
def _sc_partial_sums_kernel(o_hbm, m_hbm, g_hbm, out_hbm,
                            ob, mb, gb, accb, osem, msem, gsem):
    cid = lax.axis_index("c")
    sid = lax.axis_index("s")
    w = sid * _NC + cid
    b = w // _WPB
    c0 = (w % _WPB) * _CPW

    def chunk_src(hbm, q):
        c = c0 + q // 4
        h0 = (q % 4) * _QH
        return hbm.at[b, c, pl.ds(h0, _QH)]

    def start(q, slot):
        pltpu.async_copy(chunk_src(o_hbm, q), ob.at[slot], osem.at[slot])
        pltpu.async_copy(chunk_src(m_hbm, q), mb.at[slot], msem.at[slot])
        pltpu.async_copy(chunk_src(g_hbm, q), gb.at[slot], gsem.at[slot])

    def wait(q, slot):
        pltpu.make_async_copy(chunk_src(o_hbm, q), ob.at[slot], osem.at[slot]).wait()
        pltpu.make_async_copy(chunk_src(m_hbm, q), mb.at[slot], msem.at[slot]).wait()
        pltpu.make_async_copy(chunk_src(g_hbm, q), gb.at[slot], gsem.at[slot]).wait()

    start(0, 0)

    def chunk_body(q, accs):
        slot = lax.rem(q, 2)

        @pl.when(q + 1 < _NCH)
        def _():
            start(q + 1, lax.rem(q + 1, 2))

        wait(q, slot)

        def row_body(r, accs2):
            b1, b2 = accs2
            for j in range(_VECS):
                o = ob[slot, r, pl.ds(j * 16, 16)]
                m = mb[slot, r, pl.ds(j * 16, 16)]
                g = gb[slot, r, pl.ds(j * 16, 16)]
                d = (o - g) * m
                b1 = b1 + d * d
                b2 = b2 + m
            return (b1, b2)

        return lax.fori_loop(0, _QH, row_body, accs)

    z = jnp.zeros((16,), jnp.float32)
    a1, a2 = lax.fori_loop(0, _NCH, chunk_body, (z, z))
    accb[0, :] = a1
    accb[1, :] = a2
    pltpu.sync_copy(accb, out_hbm.at[w])


def kernel(output, mask, ground_truth, normalizer):
    tc_part = _tc_partial_sums(output, mask, ground_truth)
    sc_part = _sc_partial_sums_kernel(output, mask, ground_truth)
    sums = (sc_part.reshape(_B, _WPB, 2, 16).sum(axis=(1, 3))
            + tc_part.sum(axis=-1))
    loss = jnp.mean(sums[:, 0] / sums[:, 1])
    return (loss, output, ground_truth)

# --- scband reference (transcript-rebuilt; emitter-appended) ---
"""Pipeline reference for scband-mseloss-49314814492858 (READ-ONLY COPY).

The authoritative reference and input builder live on the scoring server;
editing this copy changes nothing except your own understanding.
"""

import jax, jax.numpy as jnp
import numpy as np


def setup_inputs(seed: int = 0) -> dict:
    key = jax.random.key(seed)
    k1, k2, k3 = jax.random.split(key, 3)
    b, c, h, w = 4, 96, 224, 224
    output = jax.random.normal(k1, (b, c, h, w), dtype=jnp.float32)
    # uniform (0,1) mask: every channel has positive sum, so all (b,c) pairs are active,
    # matching the torch code's assumption that 'number' is equal across batch items
    mask = jax.random.uniform(k2, (b, c, h, w), dtype=jnp.float32)
    ground_truth = jax.random.normal(k3, (b, c, h, w), dtype=jnp.float32)
    normalizer = jnp.ones((1,), dtype=jnp.float32)
    return {"output": output, "mask": mask, "ground_truth": ground_truth, "normalizer": normalizer}


def reference(output, mask, ground_truth, normalizer):
    b, c, h, w = output.shape
    output_masked = output * mask
    ground_truth_masked = ground_truth * mask
    ch_sums = mask.sum(axis=(2, 3))
    active = ch_sums > 0
    act4 = active[:, :, None, None]
    om = jnp.where(act4, output_masked, 0.0)
    gm = jnp.where(act4, ground_truth_masked, 0.0)
    selected_mask = jnp.where(act4, mask, 0.0)
    mse_map = (om - gm) ** 2  # F.mse_loss reduction='none'
    sum_sample = mask.sum(axis=(1, 2, 3))
    map_sum_sample = mse_map.sum(axis=(1, 2, 3))
    map_mean_sample = map_sum_sample / sum_sample
    mse_loss = map_mean_sample.mean()
    return (mse_loss, output, ground_truth)

if __name__ == "__main__":
    import jax
    _d = setup_inputs()
    print(jax.jit(kernel)(*tuple(_d.values())))

</pallas_src>

<mosaic_0001>
#map = affine_map<(d0, d1) -> (0, 0, 0, 0)>
#map1 = affine_map<(d0, d1) -> (0, 0, 0)>
module attributes {stable_mosaic.version = 14 : i64} {
  func.func @_sc_partial_sums_kernel(%arg0: i32, %arg1: i32, %arg2: memref<4x96x224x224xf32, #tpu.memory_space<hbm>>, %arg3: memref<4x96x224x224xf32, #tpu.memory_space<hbm>>, %arg4: memref<4x96x224x224xf32, #tpu.memory_space<hbm>>, %arg5: memref<32x2x16xf32, #tpu.memory_space<hbm>>, %arg6: memref<2x56x224xf32, #tpu.memory_space<vmem>>, %arg7: memref<2x56x224xf32, #tpu.memory_space<vmem>>, %arg8: memref<2x56x224xf32, #tpu.memory_space<vmem>>, %arg9: memref<2x16xf32, #tpu.memory_space<vmem>>, %arg10: memref<2x!tpu.dma_semaphore, #tpu.memory_space<semaphore_mem>>, %arg11: memref<2x!tpu.dma_semaphore, #tpu.memory_space<semaphore_mem>>, %arg12: memref<2x!tpu.dma_semaphore, #tpu.memory_space<semaphore_mem>>) attributes {dimension_semantics = [#tpu.dimension_semantics<core_parallel>, #tpu.dimension_semantics<subcore_parallel>], iteration_bounds = array<i64: 2, 16>, scalar_prefetch = 0 : i64, scratch_operands = 7 : i64, tpu.core_type = #tpu.core_type<sc_vector_subcore>, window_params = [{transform_indices = #map}, {transform_indices = #map}, {transform_indices = #map}, {transform_indices = #map1}]} {
    %mul3A = arith.constant 2 : i32
    %mul3A_0 = arith.muli %arg1, %mul3A : i32
    %add3A = arith.addi %mul3A_0, %arg0 : i32
    %jit3A = arith.constant 8 : i32
    %div3A = arith.divsi %add3A, %jit3A : i32
    %sign3A = arith.constant 0 : i32
    %sign3A_1 = arith.cmpi sgt, %add3A, %sign3A : i32
    %sign3A_2 = arith.extui %sign3A_1 : i1 to i32
    %sign3A_3 = arith.constant 0 : i32
    %sign3A_4 = arith.cmpi slt, %add3A, %sign3A_3 : i32
    %sign3A_5 = arith.extui %sign3A_4 : i1 to i32
    %sign3A_6 = arith.subi %sign3A_2, %sign3A_5 : i32
    %sign3A_7 = arith.constant 0 : i32
    %sign3A_8 = arith.cmpi sgt, %jit3A, %sign3A_7 : i32
    %sign3A_9 = arith.extui %sign3A_8 : i1 to i32
    %sign3A_10 = arith.constant 0 : i32
    %sign3A_11 = arith.cmpi slt, %jit3A, %sign3A_10 : i32
    %sign3A_12 = arith.extui %sign3A_11 : i1 to i32
    %sign3A_13 = arith.subi %sign3A_9, %sign3A_12 : i32
    %ne3A = arith.cmpi ne, %sign3A_6, %sign3A_13 : i32
    %rem3A = arith.remsi %add3A, %jit3A : i32
    %ne3A_14 = arith.constant 0 : i32
    %ne3A_15 = arith.cmpi ne, %rem3A, %ne3A_14 : i32
    %and3A = arith.andi %ne3A, %ne3A_15 : i1
    %sub3A = arith.constant 1 : i32
    %sub3A_16 = arith.subi %div3A, %sub3A : i32
    %select_n3A = arith.select %and3A, %sub3A_16, %div3A : i32
    %jit3A_17 = arith.constant 8 : i32
    %eq3A = arith.constant 0 : i32
    %eq3A_18 = arith.cmpi eq, %jit3A_17, %eq3A : i32
    %jit3A_19 = arith.constant 1 : i32
    %select_n3A_20 = arith.select %eq3A_18, %jit3A_19, %jit3A_17 : i32
    %rem3A_21 = arith.remsi %add3A, %select_n3A_20 : i32
    %ne3A_22 = arith.constant 0 : i32
    %ne3A_23 = arith.cmpi ne, %rem3A_21, %ne3A_22 : i32
    %lt3A = arith.constant 0 : i32
    %lt3A_24 = arith.cmpi slt, %rem3A_21, %lt3A : i32
    %lt3A_25 = arith.constant 0 : i32
    %lt3A_26 = arith.cmpi slt, %select_n3A_20, %lt3A_25 : i32
    %ne3A_27 = arith.xori %lt3A_24, %lt3A_26 : i1
    %and3A_28 = arith.andi %ne3A_27, %ne3A_23 : i1
    %add3A_29 = arith.addi %rem3A_21, %select_n3A_20 : i32
    %select_n3A_30 = arith.select %and3A_28, %add3A_29, %rem3A_21 : i32
    %mul3A_31 = arith.constant 4 : i32
    %mul3A_32 = arith.muli %select_n3A_30, %mul3A_31 : i32
    %add3A_33 = arith.constant 0 : i32
    %add3A_34 = arith.addi %mul3A_32, %add3A_33 : i32
    %dma_start3A = arith.constant 0 : i32
    %dma_start3A_35 = arith.constant 0 : i32
    %dma_start3A_36 = arith.constant 0 : i32
    %dma_start3A_37 = arith.constant 0 : i32
    %dma_start3A_38 = tpu.memref_slice %arg6[%dma_start3A, %dma_start3A_36, %dma_start3A_37] : memref<2x56x224xf32, #tpu.memory_space<vmem>> -> memref<1x56x224xf32, #tpu.memory_space<vmem>>
    %dma_start3A_39 = tpu.memref_squeeze %dma_start3A_38 : memref<1x56x224xf32, #tpu.memory_space<vmem>> -> memref<56x224xf32, #tpu.memory_space<vmem>>
    %dma_start3A_40 = arith.constant 0 : i32
    %dma_start3A_41 = arith.constant 0 : i32
    %dma_start3A_42 = tpu.memref_slice %arg2[%select_n3A, %add3A_34, %dma_start3A_40, %dma_start3A_41] : memref<4x96x224x224xf32, #tpu.memory_space<hbm>> -> memref<1x1x56x224xf32, #tpu.memory_space<hbm>>
    %dma_start3A_43 = tpu.memref_squeeze %dma_start3A_42 : memref<1x1x56x224xf32, #tpu.memory_space<hbm>> -> memref<56x224xf32, #tpu.memory_space<hbm>>
    %dma_start3A_44 = tpu.memref_slice %arg10[%dma_start3A_35] : memref<2x!tpu.dma_semaphore, #tpu.memory_space<semaphore_mem>> -> memref<1x!tpu.dma_semaphore, #tpu.memory_space<semaphore_mem>>
    %dma_start3A_45 = tpu.memref_squeeze %dma_start3A_44 : memref<1x!tpu.dma_semaphore, #tpu.memory_space<semaphore_mem>> -> memref<!tpu.dma_semaphore, #tpu.memory_space<semaphore_mem>>
    %dma_start3A_46 = arith.constant 0 : i32
    %dma_start3A_47 = arith.constant 0 : i32
    %dma_start3A_48 = tpu.memref_slice %arg6[%dma_start3A, %dma_start3A_46, %dma_start3A_47] : memref<2x56x224xf32, #tpu.memory_space<vmem>> -> memref<1x56x224xf32, #tpu.memory_space<vmem>>
    %dma_start3A_49 = tpu.memref_squeeze %dma_start3A_48 : memref<1x56x224xf32, #tpu.memory_space<vmem>> -> memref<56x224xf32, #tpu.memory_space<vmem>>
    %dma_start3A_50 = arith.constant 0 : i32
    %dma_start3A_51 = arith.constant 0 : i32
    %dma_start3A_52 = tpu.memref_slice %arg2[%select_n3A, %add3A_34, %dma_start3A_50, %dma_start3A_51] : memref<4x96x224x224xf32, #tpu.memory_space<hbm>> -> memref<1x1x56x224xf32, #tpu.memory_space<hbm>>
    %dma_start3A_53 = tpu.memref_squeeze %dma_start3A_52 : memref<1x1x56x224xf32, #tpu.memory_space<hbm>> -> memref<56x224xf32, #tpu.memory_space<hbm>>
    tpu.enqueue_dma source(%dma_start3A_53 : memref<56x224xf32, #tpu.memory_space<hbm>>) target(%dma_start3A_49 : memref<56x224xf32, #tpu.memory_space<vmem>>) target_semaphore(%dma_start3A_45 : memref<!tpu.dma_semaphore, #tpu.memory_space<semaphore_mem>>)
    %add3A_54 = arith.constant 0 : i32
    %add3A_55 = arith.addi %mul3A_32, %add3A_54 : i32
    %dma_start3A_56 = arith.constant 0 : i32
    %dma_start3A_57 = arith.constant 0 : i32
    %dma_start3A_58 = arith.constant 0 : i32
    %dma_start3A_59 = arith.constant 0 : i32
    %dma_start3A_60 = tpu.memref_slice %arg7[%dma_start3A_56, %dma_start3A_58, %dma_start3A_59] : memref<2x56x224xf32, #tpu.memory_space<vmem>> -> memref<1x56x224xf32, #tpu.memory_space<vmem>>
    %dma_start3A_61 = tpu.memref_squeeze %dma_start3A_60 : memref<1x56x224xf32, #tpu.memory_space<vmem>> -> memref<56x224xf32, #tpu.memory_space<vmem>>
    %dma_start3A_62 = arith.constant 0 : i32
    %dma_start3A_63 = arith.constant 0 : i32
    %dma_start3A_64 = tpu.memref_slice %arg3[%select_n3A, %add3A_55, %dma_start3A_62, %dma_start3A_63] : memref<4x96x224x224xf32, #tpu.memory_space<hbm>> -> memref<1x1x56x224xf32, #tpu.memory_space<hbm>>
    %dma_start3A_65 = tpu.memref_squeeze %dma_start3A_64 : memref<1x1x56x224xf32, #tpu.memory_space<hbm>> -> memref<56x224xf32, #tpu.memory_space<hbm>>
    %dma_start3A_66 = tpu.memref_slice %arg11[%dma_start3A_57] : memref<2x!tpu.dma_semaphore, #tpu.memory_space<semaphore_mem>> -> memref<1x!tpu.dma_semaphore, #tpu.memory_space<semaphore_mem>>
    %dma_start3A_67 = tpu.memref_squeeze %dma_start3A_66 : memref<1x!tpu.dma_semaphore, #tpu.memory_space<semaphore_mem>> -> memref<!tpu.dma_semaphore, #tpu.memory_space<semaphore_mem>>
    %dma_start3A_68 = arith.constant 0 : i32
    %dma_start3A_69 = arith.constant 0 : i32
    %dma_start3A_70 = tpu.memref_slice %arg7[%dma_start3A_56, %dma_start3A_68, %dma_start3A_69] : memref<2x56x224xf32, #tpu.memory_space<vmem>> -> memref<1x56x224xf32, #tpu.memory_space<vmem>>
    %dma_start3A_71 = tpu.memref_squeeze %dma_start3A_70 : memref<1x56x224xf32, #tpu.memory_space<vmem>> -> memref<56x224xf32, #tpu.memory_space<vmem>>
    %dma_start3A_72 = arith.constant 0 : i32
    %dma_start3A_73 = arith.constant 0 : i32
    %dma_start3A_74 = tpu.memref_slice %arg3[%select_n3A, %add3A_55, %dma_start3A_72, %dma_start3A_73] : memref<4x96x224x224xf32, #tpu.memory_space<hbm>> -> memref<1x1x56x224xf32, #tpu.memory_space<hbm>>
    %dma_start3A_75 = tpu.memref_squeeze %dma_start3A_74 : memref<1x1x56x224xf32, #tpu.memory_space<hbm>> -> memref<56x224xf32, #tpu.memory_space<hbm>>
    tpu.enqueue_dma source(%dma_start3A_75 : memref<56x224xf32, #tpu.memory_space<hbm>>) target(%dma_start3A_71 : memref<56x224xf32, #tpu.memory_space<vmem>>) target_semaphore(%dma_start3A_67 : memref<!tpu.dma_semaphore, #tpu.memory_space<semaphore_mem>>)
    %add3A_76 = arith.constant 0 : i32
    %add3A_77 = arith.addi %mul3A_32, %add3A_76 : i32
    %dma_start3A_78 = arith.constant 0 : i32
    %dma_start3A_79 = arith.constant 0 : i32
    %dma_start3A_80 = arith.constant 0 : i32
    %dma_start3A_81 = arith.constant 0 : i32
    %dma_start3A_82 = tpu.memref_slice %arg8[%dma_start3A_78, %dma_start3A_80, %dma_start3A_81] : memref<2x56x224xf32, #tpu.memory_space<vmem>> -> memref<1x56x224xf32, #tpu.memory_space<vmem>>
    %dma_start3A_83 = tpu.memref_squeeze %dma_start3A_82 : memref<1x56x224xf32, #tpu.memory_space<vmem>> -> memref<56x224xf32, #tpu.memory_space<vmem>>
    %dma_start3A_84 = arith.constant 0 : i32
    %dma_start3A_85 = arith.constant 0 : i32
    %dma_start3A_86 = tpu.memref_slice %arg4[%select_n3A, %add3A_77, %dma_start3A_84, %dma_start3A_85] : memref<4x96x224x224xf32, #tpu.memory_space<hbm>> -> memref<1x1x56x224xf32, #tpu.memory_space<hbm>>
    %dma_start3A_87 = tpu.memref_squeeze %dma_start3A_86 : memref<1x1x56x224xf32, #tpu.memory_space<hbm>> -> memref<56x224xf32, #tpu.memory_space<hbm>>
    %dma_start3A_88 = tpu.memref_slice %arg12[%dma_start3A_79] : memref<2x!tpu.dma_semaphore, #tpu.memory_space<semaphore_mem>> -> memref<1x!tpu.dma_semaphore, #tpu.memory_space<semaphore_mem>>
    %dma_start3A_89 = tpu.memref_squeeze %dma_start3A_88 : memref<1x!tpu.dma_semaphore, #tpu.memory_space<semaphore_mem>> -> memref<!tpu.dma_semaphore, #tpu.memory_space<semaphore_mem>>
    %dma_start3A_90 = arith.constant 0 : i32
    %dma_start3A_91 = arith.constant 0 : i32
    %dma_start3A_92 = tpu.memref_slice %arg8[%dma_start3A_78, %dma_start3A_90, %dma_start3A_91] : memref<2x56x224xf32, #tpu.memory_space<vmem>> -> memref<1x56x224xf32, #tpu.memory_space<vmem>>
    %dma_start3A_93 = tpu.memref_squeeze %dma_start3A_92 : memref<1x56x224xf32, #tpu.memory_space<vmem>> -> memref<56x224xf32, #tpu.memory_space<vmem>>
    %dma_start3A_94 = arith.constant 0 : i32
    %dma_start3A_95 = arith.constant 0 : i32
    %dma_start3A_96 = tpu.memref_slice %arg4[%select_n3A, %add3A_77, %dma_start3A_94, %dma_start3A_95] : memref<4x96x224x224xf32, #tpu.memory_space<hbm>> -> memref<1x1x56x224xf32, #tpu.memory_space<hbm>>
    %dma_start3A_97 = tpu.memref_squeeze %dma_start3A_96 : memref<1x1x56x224xf32, #tpu.memory_space<hbm>> -> memref<56x224xf32, #tpu.memory_space<hbm>>
    tpu.enqueue_dma source(%dma_start3A_97 : memref<56x224xf32, #tpu.memory_space<hbm>>) target(%dma_start3A_93 : memref<56x224xf32, #tpu.memory_space<vmem>>) target_semaphore(%dma_start3A_89 : memref<!tpu.dma_semaphore, #tpu.memory_space<semaphore_mem>>)
    %broadcast_in_dim3A = arith.constant 0.000000e+00 : f32
    %broadcast_in_dim3A_98 = vector.broadcast %broadcast_in_dim3A : f32 to vector<16xf32>
    %scan3A = arith.constant 0 : i32
    %scan3A_99 = arith.constant 16 : i32
    %scan3A_100 = arith.addi %scan3A, %scan3A_99 : i32
    %scan3A_101 = arith.constant 1 : i32
    %scan3A_102:2 = scf.for %scan3A_115 = %scan3A to %scan3A_100 step %scan3A_101 iter_args(%scan3A_116 = %broadcast_in_dim3A_98, %scan3A_117 = %broadcast_in_dim3A_98) -> (vector<16xf32>, vector<16xf32>)  : i32 {
      %rem3A_118 = arith.constant 2 : i32
      %rem3A_119 = arith.remsi %scan3A_115, %rem3A_118 : i32
      %add3A_120 = arith.constant 1 : i32
      %add3A_121 = arith.addi %scan3A_115, %add3A_120 : i32
      %lt3A_122 = arith.constant 16 : i32
      %lt3A_123 = arith.cmpi slt, %add3A_121, %lt3A_122 : i32
      %convert_element_type3A = arith.extui %lt3A_123 : i1 to i32
      %cond3A = arith.constant 0 : i32
      %cond3A_124 = arith.cmpi ne, %convert_element_type3A, %cond3A : i32
      scf.if %cond3A_124 {
        %add3A_307 = arith.constant 1 : i32
        %add3A_308 = arith.addi %scan3A_115, %add3A_307 : i32
        %add3A_309 = arith.constant 1 : i32
        %add3A_310 = arith.addi %scan3A_115, %add3A_309 : i32
        %rem3A_311 = arith.constant 2 : i32
        %rem3A_312 = arith.remsi %add3A_310, %rem3A_311 : i32
        %jit3A_313 = arith.constant 4 : i32
        %div3A_314 = arith.divsi %add3A_308, %jit3A_313 : i32
        %sign3A_315 = arith.constant 0 : i32
        %sign3A_316 = arith.cmpi sgt, %add3A_308, %sign3A_315 : i32
        %sign3A_317 = arith.extui %sign3A_316 : i1 to i32
        %sign3A_318 = arith.constant 0 : i32
        %sign3A_319 = arith.cmpi slt, %add3A_308, %sign3A_318 : i32
        %sign3A_320 = arith.extui %sign3A_319 : i1 to i32
        %sign3A_321 = arith.subi %sign3A_317, %sign3A_320 : i32
        %sign3A_322 = arith.constant 0 : i32
        %sign3A_323 = arith.cmpi sgt, %jit3A_313, %sign3A_322 : i32
        %sign3A_324 = arith.extui %sign3A_323 : i1 to i32
        %sign3A_325 = arith.constant 0 : i32
        %sign3A_326 = arith.cmpi slt, %jit3A_313, %sign3A_325 : i32
        %sign3A_327 = arith.extui %sign3A_326 : i1 to i32
        %sign3A_328 = arith.subi %sign3A_324, %sign3A_327 : i32
        %ne3A_329 = arith.cmpi ne, %sign3A_321, %sign3A_328 : i32
        %rem3A_330 = arith.remsi %add3A_308, %jit3A_313 : i32
        %ne3A_331 = arith.constant 0 : i32
        %ne3A_332 = arith.cmpi ne, %rem3A_330, %ne3A_331 : i32
        %and3A_333 = arith.andi %ne3A_329, %ne3A_332 : i1
        %sub3A_334 = arith.constant 1 : i32
        %sub3A_335 = arith.subi %div3A_314, %sub3A_334 : i32
        %select_n3A_336 = arith.select %and3A_333, %sub3A_335, %div3A_314 : i32
        %add3A_337 = arith.addi %mul3A_32, %select_n3A_336 : i32
        %jit3A_338 = arith.constant 4 : i32
        %eq3A_339 = arith.constant 0 : i32
        %eq3A_340 = arith.cmpi eq, %jit3A_338, %eq3A_339 : i32
        %jit3A_341 = arith.constant 1 : i32
        %select_n3A_342 = arith.select %eq3A_340, %jit3A_341, %jit3A_338 : i32
        %rem3A_343 = arith.remsi %add3A_308, %select_n3A_342 : i32
        %ne3A_344 = arith.constant 0 : i32
        %ne3A_345 = arith.cmpi ne, %rem3A_343, %ne3A_344 : i32
        %lt3A_346 = arith.constant 0 : i32
        %lt3A_347 = arith.cmpi slt, %rem3A_343, %lt3A_346 : i32
        %lt3A_348 = arith.constant 0 : i32
        %lt3A_349 = arith.cmpi slt, %select_n3A_342, %lt3A_348 : i32
        %ne3A_350 = arith.xori %lt3A_347, %lt3A_349 : i1
        %and3A_351 = arith.andi %ne3A_350, %ne3A_345 : i1
        %add3A_352 = arith.addi %rem3A_343, %select_n3A_342 : i32
        %select_n3A_353 = arith.select %and3A_351, %add3A_352, %rem3A_343 : i32
        %mul3A_354 = arith.constant 56 : i32
        %mul3A_355 = arith.muli %select_n3A_353, %mul3A_354 : i32
        %dma_start3A_356 = arith.constant 0 : i32
        %dma_start3A_357 = arith.constant 0 : i32
        %dma_start3A_358 = tpu.memref_slice %arg6[%rem3A_312, %dma_start3A_356, %dma_start3A_357] : memref<2x56x224xf32, #tpu.memory_space<vmem>> -> memref<1x56x224xf32, #tpu.memory_space<vmem>>
        %dma_start3A_359 = tpu.memref_squeeze %dma_start3A_358 : memref<1x56x224xf32, #tpu.memory_space<vmem>> -> memref<56x224xf32, #tpu.memory_space<vmem>>
        %dma_start3A_360 = arith.constant 0 : i32
        %dma_start3A_361 = tpu.memref_slice %arg2[%select_n3A, %add3A_337, %mul3A_355, %dma_start3A_360] : memref<4x96x224x224xf32, #tpu.memory_space<hbm>> -> memref<1x1x56x224xf32, #tpu.memory_space<hbm>>
        %dma_start3A_362 = tpu.memref_squeeze %dma_start3A_361 : memref<1x1x56x224xf32, #tpu.memory_space<hbm>> -> memref<56x224xf32, #tpu.memory_space<hbm>>
        %dma_start3A_363 = tpu.memref_slice %arg10[%rem3A_312] : memref<2x!tpu.dma_semaphore, #tpu.memory_space<semaphore_mem>> -> memref<1x!tpu.dma_semaphore, #tpu.memory_space<semaphore_mem>>
        %dma_start3A_364 = tpu.memref_squeeze %dma_start3A_363 : memref<1x!tpu.dma_semaphore, #tpu.memory_space<semaphore_mem>> -> memref<!tpu.dma_semaphore, #tpu.memory_space<semaphore_mem>>
        %dma_start3A_365 = arith.constant 0 : i32
        %dma_start3A_366 = arith.constant 0 : i32
        %dma_start3A_367 = tpu.memref_slice %arg6[%rem3A_312, %dma_start3A_365, %dma_start3A_366] : memref<2x56x224xf32, #tpu.memory_space<vmem>> -> memref<1x56x224xf32, #tpu.memory_space<vmem>>
        %dma_start3A_368 = tpu.memref_squeeze %dma_start3A_367 : memref<1x56x224xf32, #tpu.memory_space<vmem>> -> memref<56x224xf32, #tpu.memory_space<vmem>>
        %dma_start3A_369 = arith.constant 0 : i32
        %dma_start3A_370 = tpu.memref_slice %arg2[%select_n3A, %add3A_337, %mul3A_355, %dma_start3A_369] : memref<4x96x224x224xf32, #tpu.memory_space<hbm>> -> memref<1x1x56x224xf32, #tpu.memory_space<hbm>>
        %dma_start3A_371 = tpu.memref_squeeze %dma_start3A_370 : memref<1x1x56x224xf32, #tpu.memory_space<hbm>> -> memref<56x224xf32, #tpu.memory_space<hbm>>
        tpu.enqueue_dma source(%dma_start3A_371 : memref<56x224xf32, #tpu.memory_space<hbm>>) target(%dma_start3A_368 : memref<56x224xf32, #tpu.memory_space<vmem>>) target_semaphore(%dma_start3A_364 : memref<!tpu.dma_semaphore, #tpu.memory_space<semaphore_mem>>)
        %jit3A_372 = arith.constant 4 : i32
        %div3A_373 = arith.divsi %add3A_308, %jit3A_372 : i32
        %sign3A_374 = arith.constant 0 : i32
        %sign3A_375 = arith.cmpi sgt, %add3A_308, %sign3A_374 : i32
        %sign3A_376 = arith.extui %sign3A_375 : i1 to i32
        %sign3A_377 = arith.constant 0 : i32
        %sign3A_378 = arith.cmpi slt, %add3A_308, %sign3A_377 : i32
        %sign3A_379 = arith.extui %sign3A_378 : i1 to i32
        %sign3A_380 = arith.subi %sign3A_376, %sign3A_379 : i32
        %sign3A_381 = arith.constant 0 : i32
        %sign3A_382 = arith.cmpi sgt, %jit3A_372, %sign3A_381 : i32
        %sign3A_383 = arith.extui %sign3A_382 : i1 to i32
        %sign3A_384 = arith.constant 0 : i32
        %sign3A_385 = arith.cmpi slt, %jit3A_372, %sign3A_384 : i32
        %sign3A_386 = arith.extui %sign3A_385 : i1 to i32
        %sign3A_387 = arith.subi %sign3A_383, %sign3A_386 : i32
        %ne3A_388 = arith.cmpi ne, %sign3A_380, %sign3A_387 : i32
        %rem3A_389 = arith.remsi %add3A_308, %jit3A_372 : i32
        %ne3A_390 = arith.constant 0 : i32
        %ne3A_391 = arith.cmpi ne, %rem3A_389, %ne3A_390 : i32
        %and3A_392 = arith.andi %ne3A_388, %ne3A_391 : i1
        %sub3A_393 = arith.constant 1 : i32
        %sub3A_394 = arith.subi %div3A_373, %sub3A_393 : i32
        %select_n3A_395 = arith.select %and3A_392, %sub3A_394, %div3A_373 : i32
        %add3A_396 = arith.addi %mul3A_32, %select_n3A_395 : i32
        %jit3A_397 = arith.constant 4 : i32
        %eq3A_398 = arith.constant 0 : i32
        %eq3A_399 = arith.cmpi eq, %jit3A_397, %eq3A_398 : i32
        %jit3A_400 = arith.constant 1 : i32
        %select_n3A_401 = arith.select %eq3A_399, %jit3A_400, %jit3A_397 : i32
        %rem3A_402 = arith.remsi %add3A_308, %select_n3A_401 : i32
        %ne3A_403 = arith.constant 0 : i32
        %ne3A_404 = arith.cmpi ne, %rem3A_402, %ne3A_403 : i32
        %lt3A_405 = arith.constant 0 : i32
        %lt3A_406 = arith.cmpi slt, %rem3A_402, %lt3A_405 : i32
        %lt3A_407 = arith.constant 0 : i32
        %lt3A_408 = arith.cmpi slt, %select_n3A_401, %lt3A_407 : i32
        %ne3A_409 = arith.xori %lt3A_406, %lt3A_408 : i1
        %and3A_410 = arith.andi %ne3A_409, %ne3A_404 : i1
        %add3A_411 = arith.addi %rem3A_402, %select_n3A_401 : i32
        %select_n3A_412 = arith.select %and3A_410, %add3A_411, %rem3A_402 : i32
        %mul3A_413 = arith.constant 56 : i32
        %mul3A_414 = arith.muli %select_n3A_412, %mul3A_413 : i32
        %dma_start3A_415 = arith.constant 0 : i32
        %dma_start3A_416 = arith.constant 0 : i32
        %dma_start3A_417 = tpu.memref_slice %arg7[%rem3A_312, %dma_start3A_415, %dma_start3A_416] : memref<2x56x224xf32, #tpu.memory_space<vmem>> -> memref<1x56x224xf32, #tpu.memory_space<vmem>>
        %dma_start3A_418 = tpu.memref_squeeze %dma_start3A_417 : memref<1x56x224xf32, #tpu.memory_space<vmem>> -> memref<56x224xf32, #tpu.memory_space<vmem>>
        %dma_start3A_419 = arith.constant 0 : i32
        %dma_start3A_420 = tpu.memref_slice %arg3[%select_n3A, %add3A_396, %mul3A_414, %dma_start3A_419] : memref<4x96x224x224xf32, #tpu.memory_space<hbm>> -> memref<1x1x56x224xf32, #tpu.memory_space<hbm>>
        %dma_start3A_421 = tpu.memref_squeeze %dma_start3A_420 : memref<1x1x56x224xf32, #tpu.memory_space<hbm>> -> memref<56x224xf32, #tpu.memory_space<hbm>>
        %dma_start3A_422 = tpu.memref_slice %arg11[%rem3A_312] : memref<2x!tpu.dma_semaphore, #tpu.memory_space<semaphore_mem>> -> memref<1x!tpu.dma_semaphore, #tpu.memory_space<semaphore_mem>>
        %dma_start3A_423 = tpu.memref_squeeze %dma_start3A_422 : memref<1x!tpu.dma_semaphore, #tpu.memory_space<semaphore_mem>> -> memref<!tpu.dma_semaphore, #tpu.memory_space<semaphore_mem>>
        %dma_start3A_424 = arith.constant 0 : i32
        %dma_start3A_425 = arith.constant 0 : i32
        %dma_start3A_426 = tpu.memref_slice %arg7[%rem3A_312, %dma_start3A_424, %dma_start3A_425] : memref<2x56x224xf32, #tpu.memory_space<vmem>> -> memref<1x56x224xf32, #tpu.memory_space<vmem>>
        %dma_start3A_427 = tpu.memref_squeeze %dma_start3A_426 : memref<1x56x224xf32, #tpu.memory_space<vmem>> -> memref<56x224xf32, #tpu.memory_space<vmem>>
        %dma_start3A_428 = arith.constant 0 : i32
        %dma_start3A_429 = tpu.memref_slice %arg3[%select_n3A, %add3A_396, %mul3A_414, %dma_start3A_428] : memref<4x96x224x224xf32, #tpu.memory_space<hbm>> -> memref<1x1x56x224xf32, #tpu.memory_space<hbm>>
        %dma_start3A_430 = tpu.memref_squeeze %dma_start3A_429 : memref<1x1x56x224xf32, #tpu.memory_space<hbm>> -> memref<56x224xf32, #tpu.memory_space<hbm>>
        tpu.enqueue_dma source(%dma_start3A_430 : memref<56x224xf32, #tpu.memory_space<hbm>>) target(%dma_start3A_427 : memref<56x224xf32, #tpu.memory_space<vmem>>) target_semaphore(%dma_start3A_423 : memref<!tpu.dma_semaphore, #tpu.memory_space<semaphore_mem>>)
        %jit3A_431 = arith.constant 4 : i32
        %div3A_432 = arith.divsi %add3A_308, %jit3A_431 : i32
        %sign3A_433 = arith.constant 0 : i32
        %sign3A_434 = arith.cmpi sgt, %add3A_308, %sign3A_433 : i32
        %sign3A_435 = arith.extui %sign3A_434 : i1 to i32
        %sign3A_436 = arith.constant 0 : i32
        %sign3A_437 = arith.cmpi slt, %add3A_308, %sign3A_436 : i32
        %sign3A_438 = arith.extui %sign3A_437 : i1 to i32
        %sign3A_439 = arith.subi %sign3A_435, %sign3A_438 : i32
        %sign3A_440 = arith.constant 0 : i32
        %sign3A_441 = arith.cmpi sgt, %jit3A_431, %sign3A_440 : i32
        %sign3A_442 = arith.extui %sign3A_441 : i1 to i32
        %sign3A_443 = arith.constant 0 : i32
        %sign3A_444 = arith.cmpi slt, %jit3A_431, %sign3A_443 : i32
        %sign3A_445 = arith.extui %sign3A_444 : i1 to i32
        %sign3A_446 = arith.subi %sign3A_442, %sign3A_445 : i32
        %ne3A_447 = arith.cmpi ne, %sign3A_439, %sign3A_446 : i32
        %rem3A_448 = arith.remsi %add3A_308, %jit3A_431 : i32
        %ne3A_449 = arith.constant 0 : i32
        %ne3A_450 = arith.cmpi ne, %rem3A_448, %ne3A_449 : i32
        %and3A_451 = arith.andi %ne3A_447, %ne3A_450 : i1
        %sub3A_452 = arith.constant 1 : i32
        %sub3A_453 = arith.subi %div3A_432, %sub3A_452 : i32
        %select_n3A_454 = arith.select %and3A_451, %sub3A_453, %div3A_432 : i32
        %add3A_455 = arith.addi %mul3A_32, %select_n3A_454 : i32
        %jit3A_456 = arith.constant 4 : i32
        %eq3A_457 = arith.constant 0 : i32
        %eq3A_458 = arith.cmpi eq, %jit3A_456, %eq3A_457 : i32
        %jit3A_459 = arith.constant 1 : i32
        %select_n3A_460 = arith.select %eq3A_458, %jit3A_459, %jit3A_456 : i32
        %rem3A_461 = arith.remsi %add3A_308, %select_n3A_460 : i32
        %ne3A_462 = arith.constant 0 : i32
        %ne3A_463 = arith.cmpi ne, %rem3A_461, %ne3A_462 : i32
        %lt3A_464 = arith.constant 0 : i32
        %lt3A_465 = arith.cmpi slt, %rem3A_461, %lt3A_464 : i32
        %lt3A_466 = arith.constant 0 : i32
        %lt3A_467 = arith.cmpi slt, %select_n3A_460, %lt3A_466 : i32
        %ne3A_468 = arith.xori %lt3A_465, %lt3A_467 : i1
        %and3A_469 = arith.andi %ne3A_468, %ne3A_463 : i1
        %add3A_470 = arith.addi %rem3A_461, %select_n3A_460 : i32
        %select_n3A_471 = arith.select %and3A_469, %add3A_470, %rem3A_461 : i32
        %mul3A_472 = arith.constant 56 : i32
        %mul3A_473 = arith.muli %select_n3A_471, %mul3A_472 : i32
        %dma_start3A_474 = arith.constant 0 : i32
        %dma_start3A_475 = arith.constant 0 : i32
        %dma_start3A_476 = tpu.memref_slice %arg8[%rem3A_312, %dma_start3A_474, %dma_start3A_475] : memref<2x56x224xf32, #tpu.memory_space<vmem>> -> memref<1x56x224xf32, #tpu.memory_space<vmem>>
        %dma_start3A_477 = tpu.memref_squeeze %dma_start3A_476 : memref<1x56x224xf32, #tpu.memory_space<vmem>> -> memref<56x224xf32, #tpu.memory_space<vmem>>
        %dma_start3A_478 = arith.constant 0 : i32
        %dma_start3A_479 = tpu.memref_slice %arg4[%select_n3A, %add3A_455, %mul3A_473, %dma_start3A_478] : memref<4x96x224x224xf32, #tpu.memory_space<hbm>> -> memref<1x1x56x224xf32, #tpu.memory_space<hbm>>
        %dma_start3A_480 = tpu.memref_squeeze %dma_start3A_479 : memref<1x1x56x224xf32, #tpu.memory_space<hbm>> -> memref<56x224xf32, #tpu.memory_space<hbm>>
        %dma_start3A_481 = tpu.memref_slice %arg12[%rem3A_312] : memref<2x!tpu.dma_semaphore, #tpu.memory_space<semaphore_mem>> -> memref<1x!tpu.dma_semaphore, #tpu.memory_space<semaphore_mem>>
        %dma_start3A_482 = tpu.memref_squeeze %dma_start3A_481 : memref<1x!tpu.dma_semaphore, #tpu.memory_space<semaphore_mem>> -> memref<!tpu.dma_semaphore, #tpu.memory_space<semaphore_mem>>
        %dma_start3A_483 = arith.constant 0 : i32
        %dma_start3A_484 = arith.constant 0 : i32
        %dma_start3A_485 = tpu.memref_slice %arg8[%rem3A_312, %dma_start3A_483, %dma_start3A_484] : memref<2x56x224xf32, #tpu.memory_space<vmem>> -> memref<1x56x224xf32, #tpu.memory_space<vmem>>
        %dma_start3A_486 = tpu.memref_squeeze %dma_start3A_485 : memref<1x56x224xf32, #tpu.memory_space<vmem>> -> memref<56x224xf32, #tpu.memory_space<vmem>>
        %dma_start3A_487 = arith.constant 0 : i32
        %dma_start3A_488 = tpu.memref_slice %arg4[%select_n3A, %add3A_455, %mul3A_473, %dma_start3A_487] : memref<4x96x224x224xf32, #tpu.memory_space<hbm>> -> memref<1x1x56x224xf32, #tpu.memory_space<hbm>>
        %dma_start3A_489 = tpu.memref_squeeze %dma_start3A_488 : memref<1x1x56x224xf32, #tpu.memory_space<hbm>> -> memref<56x224xf32, #tpu.memory_space<hbm>>
        tpu.enqueue_dma source(%dma_start3A_489 : memref<56x224xf32, #tpu.memory_space<hbm>>) target(%dma_start3A_486 : memref<56x224xf32, #tpu.memory_space<vmem>>) target_semaphore(%dma_start3A_482 : memref<!tpu.dma_semaphore, #tpu.memory_space<semaphore_mem>>)
      } else {
      }
      %jit3A_125 = arith.constant 4 : i32
      %div3A_126 = arith.divsi %scan3A_115, %jit3A_125 : i32
      %sign3A_127 = arith.constant 0 : i32
      %sign3A_128 = arith.cmpi sgt, %scan3A_115, %sign3A_127 : i32
      %sign3A_129 = arith.extui %sign3A_128 : i1 to i32
      %sign3A_130 = arith.constant 0 : i32
      %sign3A_131 = arith.cmpi slt, %scan3A_115, %sign3A_130 : i32
      %sign3A_132 = arith.extui %sign3A_131 : i1 to i32
      %sign3A_133 = arith.subi %sign3A_129, %sign3A_132 : i32
      %sign3A_134 = arith.constant 0 : i32
      %sign3A_135 = arith.cmpi sgt, %jit3A_125, %sign3A_134 : i32
      %sign3A_136 = arith.extui %sign3A_135 : i1 to i32
      %sign3A_137 = arith.constant 0 : i32
      %sign3A_138 = arith.cmpi slt, %jit3A_125, %sign3A_137 : i32
      %sign3A_139 = arith.extui %sign3A_138 : i1 to i32
      %sign3A_140 = arith.subi %sign3A_136, %sign3A_139 : i32
      %ne3A_141 = arith.cmpi ne, %sign3A_133, %sign3A_140 : i32
      %rem3A_142 = arith.remsi %scan3A_115, %jit3A_125 : i32
      %ne3A_143 = arith.constant 0 : i32
      %ne3A_144 = arith.cmpi ne, %rem3A_142, %ne3A_143 : i32
      %and3A_145 = arith.andi %ne3A_141, %ne3A_144 : i1
      %sub3A_146 = arith.constant 1 : i32
      %sub3A_147 = arith.subi %div3A_126, %sub3A_146 : i32
      %select_n3A_148 = arith.select %and3A_145, %sub3A_147, %div3A_126 : i32
      %add3A_149 = arith.addi %mul3A_32, %select_n3A_148 : i32
      %jit3A_150 = arith.constant 4 : i32
      %eq3A_151 = arith.constant 0 : i32
      %eq3A_152 = arith.cmpi eq, %jit3A_150, %eq3A_151 : i32
      %jit3A_153 = arith.constant 1 : i32
      %select_n3A_154 = arith.select %eq3A_152, %jit3A_153, %jit3A_150 : i32
      %rem3A_155 = arith.remsi %scan3A_115, %select_n3A_154 : i32
      %ne3A_156 = arith.constant 0 : i32
      %ne3A_157 = arith.cmpi ne, %rem3A_155, %ne3A_156 : i32
      %lt3A_158 = arith.constant 0 : i32
      %lt3A_159 = arith.cmpi slt, %rem3A_155, %lt3A_158 : i32
      %lt3A_160 = arith.constant 0 : i32
      %lt3A_161 = arith.cmpi slt, %select_n3A_154, %lt3A_160 : i32
      %ne3A_162 = arith.xori %lt3A_159, %lt3A_161 : i1
      %and3A_163 = arith.andi %ne3A_162, %ne3A_157 : i1
      %add3A_164 = arith.addi %rem3A_155, %select_n3A_154 : i32
      %select_n3A_165 = arith.select %and3A_163, %add3A_164, %rem3A_155 : i32
      %mul3A_166 = arith.constant 56 : i32
      %mul3A_167 = arith.muli %select_n3A_165, %mul3A_166 : i32
      %dma_wait3A = arith.constant 0 : i32
      %dma_wait3A_168 = arith.constant 0 : i32
      %dma_wait3A_169 = tpu.memref_slice %arg6[%rem3A_119, %dma_wait3A, %dma_wait3A_168] : memref<2x56x224xf32, #tpu.memory_space<vmem>> -> memref<1x56x224xf32, #tpu.memory_space<vmem>>
      %dma_wait3A_170 = tpu.memref_squeeze %dma_wait3A_169 : memref<1x56x224xf32, #tpu.memory_space<vmem>> -> memref<56x224xf32, #tpu.memory_space<vmem>>
      %dma_wait3A_171 = arith.constant 0 : i32
      %dma_wait3A_172 = tpu.memref_slice %arg2[%select_n3A, %add3A_149, %mul3A_167, %dma_wait3A_171] : memref<4x96x224x224xf32, #tpu.memory_space<hbm>> -> memref<1x1x56x224xf32, #tpu.memory_space<hbm>>
      %dma_wait3A_173 = tpu.memref_squeeze %dma_wait3A_172 : memref<1x1x56x224xf32, #tpu.memory_space<hbm>> -> memref<56x224xf32, #tpu.memory_space<hbm>>
      %dma_wait3A_174 = tpu.memref_slice %arg10[%rem3A_119] : memref<2x!tpu.dma_semaphore, #tpu.memory_space<semaphore_mem>> -> memref<1x!tpu.dma_semaphore, #tpu.memory_space<semaphore_mem>>
      %dma_wait3A_175 = tpu.memref_squeeze %dma_wait3A_174 : memref<1x!tpu.dma_semaphore, #tpu.memory_space<semaphore_mem>> -> memref<!tpu.dma_semaphore, #tpu.memory_space<semaphore_mem>>
      %dma_wait3A_176 = arith.constant 0 : i32
      %dma_wait3A_177 = arith.constant 0 : i32
      %dma_wait3A_178 = tpu.memref_slice %arg6[%rem3A_119, %dma_wait3A_176, %dma_wait3A_177] : memref<2x56x224xf32, #tpu.memory_space<vmem>> -> memref<1x56x224xf32, #tpu.memory_space<vmem>>
      %dma_wait3A_179 = tpu.memref_squeeze %dma_wait3A_178 : memref<1x56x224xf32, #tpu.memory_space<vmem>> -> memref<56x224xf32, #tpu.memory_space<vmem>>
      %dma_wait3A_180 = arith.constant 0 : i32
      %dma_wait3A_181 = tpu.memref_slice %arg2[%select_n3A, %add3A_149, %mul3A_167, %dma_wait3A_180] : memref<4x96x224x224xf32, #tpu.memory_space<hbm>> -> memref<1x1x56x224xf32, #tpu.memory_space<hbm>>
      %dma_wait3A_182 = tpu.memref_squeeze %dma_wait3A_181 : memref<1x1x56x224xf32, #tpu.memory_space<hbm>> -> memref<56x224xf32, #tpu.memory_space<hbm>>
      tpu.wait_dma2 semaphore(%dma_wait3A_175 : memref<!tpu.dma_semaphore, #tpu.memory_space<semaphore_mem>>) src(%dma_wait3A_182 : memref<56x224xf32, #tpu.memory_space<hbm>>) dst(%dma_wait3A_179 : memref<56x224xf32, #tpu.memory_space<vmem>>)
      %jit3A_183 = arith.constant 4 : i32
      %div3A_184 = arith.divsi %scan3A_115, %jit3A_183 : i32
      %sign3A_185 = arith.constant 0 : i32
      %sign3A_186 = arith.cmpi sgt, %scan3A_115, %sign3A_185 : i32
      %sign3A_187 = arith.extui %sign3A_186 : i1 to i32
      %sign3A_188 = arith.constant 0 : i32
      %sign3A_189 = arith.cmpi slt, %scan3A_115, %sign3A_188 : i32
      %sign3A_190 = arith.extui %sign3A_189 : i1 to i32
      %sign3A_191 = arith.subi %sign3A_187, %sign3A_190 : i32
      %sign3A_192 = arith.constant 0 : i32
      %sign3A_193 = arith.cmpi sgt, %jit3A_183, %sign3A_192 : i32
      %sign3A_194 = arith.extui %sign3A_193 : i1 to i32
      %sign3A_195 = arith.constant 0 : i32
      %sign3A_196 = arith.cmpi slt, %jit3A_183, %sign3A_195 : i32
      %sign3A_197 = arith.extui %sign3A_196 : i1 to i32
      %sign3A_198 = arith.subi %sign3A_194, %sign3A_197 : i32
      %ne3A_199 = arith.cmpi ne, %sign3A_191, %sign3A_198 : i32
      %rem3A_200 = arith.remsi %scan3A_115, %jit3A_183 : i32
      %ne3A_201 = arith.constant 0 : i32
      %ne3A_202 = arith.cmpi ne, %rem3A_200, %ne3A_201 : i32
      %and3A_203 = arith.andi %ne3A_199, %ne3A_202 : i1
      %sub3A_204 = arith.constant 1 : i32
      %sub3A_205 = arith.subi %div3A_184, %sub3A_204 : i32
      %select_n3A_206 = arith.select %and3A_203, %sub3A_205, %div3A_184 : i32
      %add3A_207 = arith.addi %mul3A_32, %select_n3A_206 : i32
      %jit3A_208 = arith.constant 4 : i32
      %eq3A_209 = arith.constant 0 : i32
      %eq3A_210 = arith.cmpi eq, %jit3A_208, %eq3A_209 : i32
      %jit3A_211 = arith.constant 1 : i32
      %select_n3A_212 = arith.select %eq3A_210, %jit3A_211, %jit3A_208 : i32
      %rem3A_213 = arith.remsi %scan3A_115, %select_n3A_212 : i32
      %ne3A_214 = arith.constant 0 : i32
      %ne3A_215 = arith.cmpi ne, %rem3A_213, %ne3A_214 : i32
      %lt3A_216 = arith.constant 0 : i32
      %lt3A_217 = arith.cmpi slt, %rem3A_213, %lt3A_216 : i32
      %lt3A_218 = arith.constant 0 : i32
      %lt3A_219 = arith.cmpi slt, %select_n3A_212, %lt3A_218 : i32
      %ne3A_220 = arith.xori %lt3A_217, %lt3A_219 : i1
      %and3A_221 = arith.andi %ne3A_220, %ne3A_215 : i1
      %add3A_222 = arith.addi %rem3A_213, %select_n3A_212 : i32
      %select_n3A_223 = arith.select %and3A_221, %add3A_222, %rem3A_213 : i32
      %mul3A_224 = arith.constant 56 : i32
      %mul3A_225 = arith.muli %select_n3A_223, %mul3A_224 : i32
      %dma_wait3A_226 = arith.constant 0 : i32
      %dma_wait3A_227 = arith.constant 0 : i32
      %dma_wait3A_228 = tpu.memref_slice %arg7[%rem3A_119, %dma_wait3A_226, %dma_wait3A_227] : memref<2x56x224xf32, #tpu.memory_space<vmem>> -> memref<1x56x224xf32, #tpu.memory_space<vmem>>
      %dma_wait3A_229 = tpu.memref_squeeze %dma_wait3A_228 : memref<1x56x224xf32, #tpu.memory_space<vmem>> -> memref<56x224xf32, #tpu.memory_space<vmem>>
      %dma_wait3A_230 = arith.constant 0 : i32
      %dma_wait3A_231 = tpu.memref_slice %arg3[%select_n3A, %add3A_207, %mul3A_225, %dma_wait3A_230] : memref<4x96x224x224xf32, #tpu.memory_space<hbm>> -> memref<1x1x56x224xf32, #tpu.memory_space<hbm>>
      %dma_wait3A_232 = tpu.memref_squeeze %dma_wait3A_231 : memref<1x1x56x224xf32, #tpu.memory_space<hbm>> -> memref<56x224xf32, #tpu.memory_space<hbm>>
      %dma_wait3A_233 = tpu.memref_slice %arg11[%rem3A_119] : memref<2x!tpu.dma_semaphore, #tpu.memory_space<semaphore_mem>> -> memref<1x!tpu.dma_semaphore, #tpu.memory_space<semaphore_mem>>
      %dma_wait3A_234 = tpu.memref_squeeze %dma_wait3A_233 : memref<1x!tpu.dma_semaphore, #tpu.memory_space<semaphore_mem>> -> memref<!tpu.dma_semaphore, #tpu.memory_space<semaphore_mem>>
      %dma_wait3A_235 = arith.constant 0 : i32
      %dma_wait3A_236 = arith.constant 0 : i32
      %dma_wait3A_237 = tpu.memref_slice %arg7[%rem3A_119, %dma_wait3A_235, %dma_wait3A_236] : memref<2x56x224xf32, #tpu.memory_space<vmem>> -> memref<1x56x224xf32, #tpu.memory_space<vmem>>
      %dma_wait3A_238 = tpu.memref_squeeze %dma_wait3A_237 : memref<1x56x224xf32, #tpu.memory_space<vmem>> -> memref<56x224xf32, #tpu.memory_space<vmem>>
      %dma_wait3A_239 = arith.constant 0 : i32
      %dma_wait3A_240 = tpu.memref_slice %arg3[%select_n3A, %add3A_207, %mul3A_225, %dma_wait3A_239] : memref<4x96x224x224xf32, #tpu.memory_space<hbm>> -> memref<1x1x56x224xf32, #tpu.memory_space<hbm>>
      %dma_wait3A_241 = tpu.memref_squeeze %dma_wait3A_240 : memref<1x1x56x224xf32, #tpu.memory_space<hbm>> -> memref<56x224xf32, #tpu.memory_space<hbm>>
      tpu.wait_dma2 semaphore(%dma_wait3A_234 : memref<!tpu.dma_semaphore, #tpu.memory_space<semaphore_mem>>) src(%dma_wait3A_241 : memref<56x224xf32, #tpu.memory_space<hbm>>) dst(%dma_wait3A_238 : memref<56x224xf32, #tpu.memory_space<vmem>>)
      %jit3A_242 = arith.constant 4 : i32
      %div3A_243 = arith.divsi %scan3A_115, %jit3A_242 : i32
      %sign3A_244 = arith.constant 0 : i32
      %sign3A_245 = arith.cmpi sgt, %scan3A_115, %sign3A_244 : i32
      %sign3A_246 = arith.extui %sign3A_245 : i1 to i32
      %sign3A_247 = arith.constant 0 : i32
      %sign3A_248 = arith.cmpi slt, %scan3A_115, %sign3A_247 : i32
      %sign3A_249 = arith.extui %sign3A_248 : i1 to i32
      %sign3A_250 = arith.subi %sign3A_246, %sign3A_249 : i32
      %sign3A_251 = arith.constant 0 : i32
      %sign3A_252 = arith.cmpi sgt, %jit3A_242, %sign3A_251 : i32
      %sign3A_253 = arith.extui %sign3A_252 : i1 to i32
      %sign3A_254 = arith.constant 0 : i32
      %sign3A_255 = arith.cmpi slt, %jit3A_242, %sign3A_254 : i32
      %sign3A_256 = arith.extui %sign3A_255 : i1 to i32
      %sign3A_257 = arith.subi %sign3A_253, %sign3A_256 : i32
      %ne3A_258 = arith.cmpi ne, %sign3A_250, %sign3A_257 : i32
      %rem3A_259 = arith.remsi %scan3A_115, %jit3A_242 : i32
      %ne3A_260 = arith.constant 0 : i32
      %ne3A_261 = arith.cmpi ne, %rem3A_259, %ne3A_260 : i32
      %and3A_262 = arith.andi %ne3A_258, %ne3A_261 : i1
      %sub3A_263 = arith.constant 1 : i32
      %sub3A_264 = arith.subi %div3A_243, %sub3A_263 : i32
      %select_n3A_265 = arith.select %and3A_262, %sub3A_264, %div3A_243 : i32
      %add3A_266 = arith.addi %mul3A_32, %select_n3A_265 : i32
      %jit3A_267 = arith.constant 4 : i32
      %eq3A_268 = arith.constant 0 : i32
      %eq3A_269 = arith.cmpi eq, %jit3A_267, %eq3A_268 : i32
      %jit3A_270 = arith.constant 1 : i32
      %select_n3A_271 = arith.select %eq3A_269, %jit3A_270, %jit3A_267 : i32
      %rem3A_272 = arith.remsi %scan3A_115, %select_n3A_271 : i32
      %ne3A_273 = arith.constant 0 : i32
      %ne3A_274 = arith.cmpi ne, %rem3A_272, %ne3A_273 : i32
      %lt3A_275 = arith.constant 0 : i32
      %lt3A_276 = arith.cmpi slt, %rem3A_272, %lt3A_275 : i32
      %lt3A_277 = arith.constant 0 : i32
      %lt3A_278 = arith.cmpi slt, %select_n3A_271, %lt3A_277 : i32
      %ne3A_279 = arith.xori %lt3A_276, %lt3A_278 : i1
      %and3A_280 = arith.andi %ne3A_279, %ne3A_274 : i1
      %add3A_281 = arith.addi %rem3A_272, %select_n3A_271 : i32
      %select_n3A_282 = arith.select %and3A_280, %add3A_281, %rem3A_272 : i32
      %mul3A_283 = arith.constant 56 : i32
      %mul3A_284 = arith.muli %select_n3A_282, %mul3A_283 : i32
      %dma_wait3A_285 = arith.constant 0 : i32
      %dma_wait3A_286 = arith.constant 0 : i32
      %dma_wait3A_287 = tpu.memref_slice %arg8[%rem3A_119, %dma_wait3A_285, %dma_wait3A_286] : memref<2x56x224xf32, #tpu.memory_space<vmem>> -> memref<1x56x224xf32, #tpu.memory_space<vmem>>
      %dma_wait3A_288 = tpu.memref_squeeze %dma_wait3A_287 : memref<1x56x224xf32, #tpu.memory_space<vmem>> -> memref<56x224xf32, #tpu.memory_space<vmem>>
      %dma_wait3A_289 = arith.constant 0 : i32
      %dma_wait3A_290 = tpu.memref_slice %arg4[%select_n3A, %add3A_266, %mul3A_284, %dma_wait3A_289] : memref<4x96x224x224xf32, #tpu.memory_space<hbm>> -> memref<1x1x56x224xf32, #tpu.memory_space<hbm>>
      %dma_wait3A_291 = tpu.memref_squeeze %dma_wait3A_290 : memref<1x1x56x224xf32, #tpu.memory_space<hbm>> -> memref<56x224xf32, #tpu.memory_space<hbm>>
      %dma_wait3A_292 = tpu.memref_slice %arg12[%rem3A_119] : memref<2x!tpu.dma_semaphore, #tpu.memory_space<semaphore_mem>> -> memref<1x!tpu.dma_semaphore, #tpu.memory_space<semaphore_mem>>
      %dma_wait3A_293 = tpu.memref_squeeze %dma_wait3A_292 : memref<1x!tpu.dma_semaphore, #tpu.memory_space<semaphore_mem>> -> memref<!tpu.dma_semaphore, #tpu.memory_space<semaphore_mem>>
      %dma_wait3A_294 = arith.constant 0 : i32
      %dma_wait3A_295 = arith.constant 0 : i32
      %dma_wait3A_296 = tpu.memref_slice %arg8[%rem3A_119, %dma_wait3A_294, %dma_wait3A_295] : memref<2x56x224xf32, #tpu.memory_space<vmem>> -> memref<1x56x224xf32, #tpu.memory_space<vmem>>
      %dma_wait3A_297 = tpu.memref_squeeze %dma_wait3A_296 : memref<1x56x224xf32, #tpu.memory_space<vmem>> -> memref<56x224xf32, #tpu.memory_space<vmem>>
      %dma_wait3A_298 = arith.constant 0 : i32
      %dma_wait3A_299 = tpu.memref_slice %arg4[%select_n3A, %add3A_266, %mul3A_284, %dma_wait3A_298] : memref<4x96x224x224xf32, #tpu.memory_space<hbm>> -> memref<1x1x56x224xf32, #tpu.memory_space<hbm>>
      %dma_wait3A_300 = tpu.memref_squeeze %dma_wait3A_299 : memref<1x1x56x224xf32, #tpu.memory_space<hbm>> -> memref<56x224xf32, #tpu.memory_space<hbm>>
      tpu.wait_dma2 semaphore(%dma_wait3A_293 : memref<!tpu.dma_semaphore, #tpu.memory_space<semaphore_mem>>) src(%dma_wait3A_300 : memref<56x224xf32, #tpu.memory_space<hbm>>) dst(%dma_wait3A_297 : memref<56x224xf32, #tpu.memory_space<vmem>>)
      %scan3A_301 = arith.constant 0 : i32
      %scan3A_302 = arith.constant 56 : i32
      %scan3A_303 = arith.addi %scan3A_301, %scan3A_302 : i32
      %scan3A_304 = arith.constant 1 : i32
      %scan3A_305:2 = scf.for %scan3A_307 = %scan3A_301 to %scan3A_303 step %scan3A_304 iter_args(%scan3A_308 = %scan3A_116, %scan3A_309 = %scan3A_117) -> (vector<16xf32>, vector<16xf32>)  : i32 {
        %get3A = arith.index_cast %rem3A_119 : i32 to index
        %get3A_310 = arith.index_cast %scan3A_307 : i32 to index
        %get3A_311 = arith.constant 0 : index
        %get3A_312 = tpu.vector_load %arg6[%get3A, %get3A_310, %get3A_311] {strides = array<i32>} : memref<2x56x224xf32, #tpu.memory_space<vmem>>, vector<1x1x16xf32>,
        %get3A_313 = vector.shape_cast %get3A_312 : vector<1x1x16xf32> to vector<16xf32>
        %get3A_314 = arith.index_cast %rem3A_119 : i32 to index
        %get3A_315 = arith.index_cast %scan3A_307 : i32 to index
        %get3A_316 = arith.constant 0 : index
        %get3A_317 = tpu.vector_load %arg7[%get3A_314, %get3A_315, %get3A_316] {strides = array<i32>} : memref<2x56x224xf32, #tpu.memory_space<vmem>>, vector<1x1x16xf32>,
        %get3A_318 = vector.shape_cast %get3A_317 : vector<1x1x16xf32> to vector<16xf32>
        %get3A_319 = arith.index_cast %rem3A_119 : i32 to index
        %get3A_320 = arith.index_cast %scan3A_307 : i32 to index
        %get3A_321 = arith.constant 0 : index
        %get3A_322 = tpu.vector_load %arg8[%get3A_319, %get3A_320, %get3A_321] {strides = array<i32>} : memref<2x56x224xf32, #tpu.memory_space<vmem>>, vector<1x1x16xf32>,
        %get3A_323 = vector.shape_cast %get3A_322 : vector<1x1x16xf32> to vector<16xf32>
        %sub3A_324 = arith.subf %get3A_313, %get3A_323 : vector<16xf32>
        %mul3A_325 = arith.mulf %sub3A_324, %get3A_318 : vector<16xf32>
        %mul3A_326 = arith.mulf %mul3A_325, %mul3A_325 : vector<16xf32>
        %add3A_327 = arith.addf %scan3A_308, %mul3A_326 : vector<16xf32>
        %add3A_328 = arith.addf %scan3A_309, %get3A_318 : vector<16xf32>
        %get3A_329 = arith.index_cast %rem3A_119 : i32 to index
        %get3A_330 = arith.index_cast %scan3A_307 : i32 to index
        %get3A_331 = arith.constant 16 : index
        %get3A_332 = tpu.vector_load %arg6[%get3A_329, %get3A_330, %get3A_331] {strides = array<i32>} : memref<2x56x224xf32, #tpu.memory_space<vmem>>, vector<1x1x16xf32>,
        %get3A_333 = vector.shape_cast %get3A_332 : vector<1x1x16xf32> to vector<16xf32>
        %get3A_334 = arith.index_cast %rem3A_119 : i32 to index
        %get3A_335 = arith.index_cast %scan3A_307 : i32 to index
        %get3A_336 = arith.constant 16 : index
        %get3A_337 = tpu.vector_load %arg7[%get3A_334, %get3A_335, %get3A_336] {strides = array<i32>} : memref<2x56x224xf32, #tpu.memory_space<vmem>>, vector<1x1x16xf32>,
        %get3A_338 = vector.shape_cast %get3A_337 : vector<1x1x16xf32> to vector<16xf32>
        %get3A_339 = arith.index_cast %rem3A_119 : i32 to index
        %get3A_340 = arith.index_cast %scan3A_307 : i32 to index
        %get3A_341 = arith.constant 16 : index
        %get3A_342 = tpu.vector_load %arg8[%get3A_339, %get3A_340, %get3A_341] {strides = array<i32>} : memref<2x56x224xf32, #tpu.memory_space<vmem>>, vector<1x1x16xf32>,
        %get3A_343 = vector.shape_cast %get3A_342 : vector<1x1x16xf32> to vector<16xf32>
        %sub3A_344 = arith.subf %get3A_333, %get3A_343 : vector<16xf32>
        %mul3A_345 = arith.mulf %sub3A_344, %get3A_338 : vector<16xf32>
        %mul3A_346 = arith.mulf %mul3A_345, %mul3A_345 : vector<16xf32>
        %add3A_347 = arith.addf %add3A_327, %mul3A_346 : vector<16xf32>
        %add3A_348 = arith.addf %add3A_328, %get3A_338 : vector<16xf32>
        %get3A_349 = arith.index_cast %rem3A_119 : i32 to index
        %get3A_350 = arith.index_cast %scan3A_307 : i32 to index
        %get3A_351 = arith.constant 32 : index
        %get3A_352 = tpu.vector_load %arg6[%get3A_349, %get3A_350, %get3A_351] {strides = array<i32>} : memref<2x56x224xf32, #tpu.memory_space<vmem>>, vector<1x1x16xf32>,
        %get3A_353 = vector.shape_cast %get3A_352 : vector<1x1x16xf32> to vector<16xf32>
        %get3A_354 = arith.index_cast %rem3A_119 : i32 to index
        %get3A_355 = arith.index_cast %scan3A_307 : i32 to index
        %get3A_356 = arith.constant 32 : index
        %get3A_357 = tpu.vector_load %arg7[%get3A_354, %get3A_355, %get3A_356] {strides = array<i32>} : memref<2x56x224xf32, #tpu.memory_space<vmem>>, vector<1x1x16xf32>,
        %get3A_358 = vector.shape_cast %get3A_357 : vector<1x1x16xf32> to vector<16xf32>
        %get3A_359 = arith.index_cast %rem3A_119 : i32 to index
        %get3A_360 = arith.index_cast %scan3A_307 : i32 to index
        %get3A_361 = arith.constant 32 : index
        %get3A_362 = tpu.vector_load %arg8[%get3A_359, %get3A_360, %get3A_361] {strides = array<i32>} : memref<2x56x224xf32, #tpu.memory_space<vmem>>, vector<1x1x16xf32>,
        %get3A_363 = vector.shape_cast %get3A_362 : vector<1x1x16xf32> to vector<16xf32>
        %sub3A_364 = arith.subf %get3A_353, %get3A_363 : vector<16xf32>
        %mul3A_365 = arith.mulf %sub3A_364, %get3A_358 : vector<16xf32>
        %mul3A_366 = arith.mulf %mul3A_365, %mul3A_365 : vector<16xf32>
        %add3A_367 = arith.addf %add3A_347, %mul3A_366 : vector<16xf32>
        %add3A_368 = arith.addf %add3A_348, %get3A_358 : vector<16xf32>
        %get3A_369 = arith.index_cast %rem3A_119 : i32 to index
        %get3A_370 = arith.index_cast %scan3A_307 : i32 to index
        %get3A_371 = arith.constant 48 : index
        %get3A_372 = tpu.vector_load %arg6[%get3A_369, %get3A_370, %get3A_371] {strides = array<i32>} : memref<2x56x224xf32, #tpu.memory_space<vmem>>, vector<1x1x16xf32>,
        %get3A_373 = vector.shape_cast %get3A_372 : vector<1x1x16xf32> to vector<16xf32>
        %get3A_374 = arith.index_cast %rem3A_119 : i32 to index
        %get3A_375 = arith.index_cast %scan3A_307 : i32 to index
        %get3A_376 = arith.constant 48 : index
        %get3A_377 = tpu.vector_load %arg7[%get3A_374, %get3A_375, %get3A_376] {strides = array<i32>} : memref<2x56x224xf32, #tpu.memory_space<vmem>>, vector<1x1x16xf32>,
        %get3A_378 = vector.shape_cast %get3A_377 : vector<1x1x16xf32> to vector<16xf32>
        %get3A_379 = arith.index_cast %rem3A_119 : i32 to index
        %get3A_380 = arith.index_cast %scan3A_307 : i32 to index
        %get3A_381 = arith.constant 48 : index
        %get3A_382 = tpu.vector_load %arg8[%get3A_379, %get3A_380, %get3A_381] {strides = array<i32>} : memref<2x56x224xf32, #tpu.memory_space<vmem>>, vector<1x1x16xf32>,
        %get3A_383 = vector.shape_cast %get3A_382 : vector<1x1x16xf32> to vector<16xf32>
        %sub3A_384 = arith.subf %get3A_373, %get3A_383 : vector<16xf32>
        %mul3A_385 = arith.mulf %sub3A_384, %get3A_378 : vector<16xf32>
        %mul3A_386 = arith.mulf %mul3A_385, %mul3A_385 : vector<16xf32>
        %add3A_387 = arith.addf %add3A_367, %mul3A_386 : vector<16xf32>
        %add3A_388 = arith.addf %add3A_368, %get3A_378 : vector<16xf32>
        %get3A_389 = arith.index_cast %rem3A_119 : i32 to index
        %get3A_390 = arith.index_cast %scan3A_307 : i32 to index
        %get3A_391 = arith.constant 64 : index
        %get3A_392 = tpu.vector_load %arg6[%get3A_389, %get3A_390, %get3A_391] {strides = array<i32>} : memref<2x56x224xf32, #tpu.memory_space<vmem>>, vector<1x1x16xf32>,
        %get3A_393 = vector.shape_cast %get3A_392 : vector<1x1x16xf32> to vector<16xf32>
        %get3A_394 = arith.index_cast %rem3A_119 : i32 to index
        %get3A_395 = arith.index_cast %scan3A_307 : i32 to index
        %get3A_396 = arith.constant 64 : index
        %get3A_397 = tpu.vector_load %arg7[%get3A_394, %get3A_395, %get3A_396] {strides = array<i32>} : memref<2x56x224xf32, #tpu.memory_space<vmem>>, vector<1x1x16xf32>,
        %get3A_398 = vector.shape_cast %get3A_397 : vector<1x1x16xf32> to vector<16xf32>
        %get3A_399 = arith.index_cast %rem3A_119 : i32 to index
        %get3A_400 = arith.index_cast %scan3A_307 : i32 to index
        %get3A_401 = arith.constant 64 : index
        %get3A_402 = tpu.vector_load %arg8[%get3A_399, %get3A_400, %get3A_401] {strides = array<i32>} : memref<2x56x224xf32, #tpu.memory_space<vmem>>, vector<1x1x16xf32>,
        %get3A_403 = vector.shape_cast %get3A_402 : vector<1x1x16xf32> to vector<16xf32>
        %sub3A_404 = arith.subf %get3A_393, %get3A_403 : vector<16xf32>
        %mul3A_405 = arith.mulf %sub3A_404, %get3A_398 : vector<16xf32>
        %mul3A_406 = arith.mulf %mul3A_405, %mul3A_405 : vector<16xf32>
        %add3A_407 = arith.addf %add3A_387, %mul3A_406 : vector<16xf32>
        %add3A_408 = arith.addf %add3A_388, %get3A_398 : vector<16xf32>
        %get3A_409 = arith.index_cast %rem3A_119 : i32 to index
        %get3A_410 = arith.index_cast %scan3A_307 : i32 to index
        %get3A_411 = arith.constant 80 : index
        %get3A_412 = tpu.vector_load %arg6[%get3A_409, %get3A_410, %get3A_411] {strides = array<i32>} : memref<2x56x224xf32, #tpu.memory_space<vmem>>, vector<1x1x16xf32>,
        %get3A_413 = vector.shape_cast %get3A_412 : vector<1x1x16xf32> to vector<16xf32>
        %get3A_414 = arith.index_cast %rem3A_119 : i32 to index
        %get3A_415 = arith.index_cast %scan3A_307 : i32 to index
        %get3A_416 = arith.constant 80 : index
        %get3A_417 = tpu.vector_load %arg7[%get3A_414, %get3A_415, %get3A_416] {strides = array<i32>} : memref<2x56x224xf32, #tpu.memory_space<vmem>>, vector<1x1x16xf32>,
        %get3A_418 = vector.shape_cast %get3A_417 : vector<1x1x16xf32> to vector<16xf32>
        %get3A_419 = arith.index_cast %rem3A_119 : i32 to index
        %get3A_420 = arith.index_cast %scan3A_307 : i32 to index
        %get3A_421 = arith.constant 80 : index
        %get3A_422 = tpu.vector_load %arg8[%get3A_419, %get3A_420, %get3A_421] {strides = array<i32>} : memref<2x56x224xf32, #tpu.memory_space<vmem>>, vector<1x1x16xf32>,
        %get3A_423 = vector.shape_cast %get3A_422 : vector<1x1x16xf32> to vector<16xf32>
        %sub3A_424 = arith.subf %get3A_413, %get3A_423 : vector<16xf32>
        %mul3A_425 = arith.mulf %sub3A_424, %get3A_418 : vector<16xf32>
        %mul3A_426 = arith.mulf %mul3A_425, %mul3A_425 : vector<16xf32>
        %add3A_427 = arith.addf %add3A_407, %mul3A_426 : vector<16xf32>
        %add3A_428 = arith.addf %add3A_408, %get3A_418 : vector<16xf32>
        %get3A_429 = arith.index_cast %rem3A_119 : i32 to index
        %get3A_430 = arith.index_cast %scan3A_307 : i32 to index
        %get3A_431 = arith.constant 96 : index
        %get3A_432 = tpu.vector_load %arg6[%get3A_429, %get3A_430, %get3A_431] {strides = array<i32>} : memref<2x56x224xf32, #tpu.memory_space<vmem>>, vector<1x1x16xf32>,
        %get3A_433 = vector.shape_cast %get3A_432 : vector<1x1x16xf32> to vector<16xf32>
        %get3A_434 = arith.index_cast %rem3A_119 : i32 to index
        %get3A_435 = arith.index_cast %scan3A_307 : i32 to index
        %get3A_436 = arith.constant 96 : index
        %get3A_437 = tpu.vector_load %arg7[%get3A_434, %get3A_435, %get3A_436] {strides = array<i32>} : memref<2x56x224xf32, #tpu.memory_space<vmem>>, vector<1x1x16xf32>,
        %get3A_438 = vector.shape_cast %get3A_437 : vector<1x1x16xf32> to vector<16xf32>
        %get3A_439 = arith.index_cast %rem3A_119 : i32 to index
        %get3A_440 = arith.index_cast %scan3A_307 : i32 to index
        %get3A_441 = arith.constant 96 : index
        %get3A_442 = tpu.vector_load %arg8[%get3A_439, %get3A_440, %get3A_441] {strides = array<i32>} : memref<2x56x224xf32, #tpu.memory_space<vmem>>, vector<1x1x16xf32>,
        %get3A_443 = vector.shape_cast %get3A_442 : vector<1x1x16xf32> to vector<16xf32>
        %sub3A_444 = arith.subf %get3A_433, %get3A_443 : vector<16xf32>
        %mul3A_445 = arith.mulf %sub3A_444, %get3A_438 : vector<16xf32>
        %mul3A_446 = arith.mulf %mul3A_445, %mul3A_445 : vector<16xf32>
        %add3A_447 = arith.addf %add3A_427, %mul3A_446 : vector<16xf32>
        %add3A_448 = arith.addf %add3A_428, %get3A_438 : vector<16xf32>
        %get3A_449 = arith.index_cast %rem3A_119 : i32 to index
        %get3A_450 = arith.index_cast %scan3A_307 : i32 to index
        %get3A_451 = arith.constant 112 : index
        %get3A_452 = tpu.vector_load %arg6[%get3A_449, %get3A_450, %get3A_451] {strides = array<i32>} : memref<2x56x224xf32, #tpu.memory_space<vmem>>, vector<1x1x16xf32>,
        %get3A_453 = vector.shape_cast %get3A_452 : vector<1x1x16xf32> to vector<16xf32>
        %get3A_454 = arith.index_cast %rem3A_119 : i32 to index
        %get3A_455 = arith.index_cast %scan3A_307 : i32 to index
        %get3A_456 = arith.constant 112 : index
        %get3A_457 = tpu.vector_load %arg7[%get3A_454, %get3A_455, %get3A_456] {strides = array<i32>} : memref<2x56x224xf32, #tpu.memory_space<vmem>>, vector<1x1x16xf32>,
        %get3A_458 = vector.shape_cast %get3A_457 : vector<1x1x16xf32> to vector<16xf32>
        %get3A_459 = arith.index_cast %rem3A_119 : i32 to index
        %get3A_460 = arith.index_cast %scan3A_307 : i32 to index
        %get3A_461 = arith.constant 112 : index
        %get3A_462 = tpu.vector_load %arg8[%get3A_459, %get3A_460, %get3A_461] {strides = array<i32>} : memref<2x56x224xf32, #tpu.memory_space<vmem>>, vector<1x1x16xf32>,
        %get3A_463 = vector.shape_cast %get3A_462 : vector<1x1x16xf32> to vector<16xf32>
        %sub3A_464 = arith.subf %get3A_453, %get3A_463 : vector<16xf32>
        %mul3A_465 = arith.mulf %sub3A_464, %get3A_458 : vector<16xf32>
        %mul3A_466 = arith.mulf %mul3A_465, %mul3A_465 : vector<16xf32>
        %add3A_467 = arith.addf %add3A_447, %mul3A_466 : vector<16xf32>
        %add3A_468 = arith.addf %add3A_448, %get3A_458 : vector<16xf32>
        %get3A_469 = arith.index_cast %rem3A_119 : i32 to index
        %get3A_470 = arith.index_cast %scan3A_307 : i32 to index
        %get3A_471 = arith.constant 128 : index
        %get3A_472 = tpu.vector_load %arg6[%get3A_469, %get3A_470, %get3A_471] {strides = array<i32>} : memref<2x56x224xf32, #tpu.memory_space<vmem>>, vector<1x1x16xf32>,
        %get3A_473 = vector.shape_cast %get3A_472 : vector<1x1x16xf32> to vector<16xf32>
        %get3A_474 = arith.index_cast %rem3A_119 : i32 to index
        %get3A_475 = arith.index_cast %scan3A_307 : i32 to index
        %get3A_476 = arith.constant 128 : index
        %get3A_477 = tpu.vector_load %arg7[%get3A_474, %get3A_475, %get3A_476] {strides = array<i32>} : memref<2x56x224xf32, #tpu.memory_space<vmem>>, vector<1x1x16xf32>,
        %get3A_478 = vector.shape_cast %get3A_477 : vector<1x1x16xf32> to vector<16xf32>
        %get3A_479 = arith.index_cast %rem3A_119 : i32 to index
        %get3A_480 = arith.index_cast %scan3A_307 : i32 to index
        %get3A_481 = arith.constant 128 : index
        %get3A_482 = tpu.vector_load %arg8[%get3A_479, %get3A_480, %get3A_481] {strides = array<i32>} : memref<2x56x224xf32, #tpu.memory_space<vmem>>, vector<1x1x16xf32>,
        %get3A_483 = vector.shape_cast %get3A_482 : vector<1x1x16xf32> to vector<16xf32>
        %sub3A_484 = arith.subf %get3A_473, %get3A_483 : vector<16xf32>
        %mul3A_485 = arith.mulf %sub3A_484, %get3A_478 : vector<16xf32>
        %mul3A_486 = arith.mulf %mul3A_485, %mul3A_485 : vector<16xf32>
        %add3A_487 = arith.addf %add3A_467, %mul3A_486 : vector<16xf32>
        %add3A_488 = arith.addf %add3A_468, %get3A_478 : vector<16xf32>
        %get3A_489 = arith.index_cast %rem3A_119 : i32 to index
        %get3A_490 = arith.index_cast %scan3A_307 : i32 to index
        %get3A_491 = arith.constant 144 : index
        %get3A_492 = tpu.vector_load %arg6[%get3A_489, %get3A_490, %get3A_491] {strides = array<i32>} : memref<2x56x224xf32, #tpu.memory_space<vmem>>, vector<1x1x16xf32>,
        %get3A_493 = vector.shape_cast %get3A_492 : vector<1x1x16xf32> to vector<16xf32>
        %get3A_494 = arith.index_cast %rem3A_119 : i32 to index
        %get3A_495 = arith.index_cast %scan3A_307 : i32 to index
        %get3A_496 = arith.constant 144 : index
        %get3A_497 = tpu.vector_load %arg7[%get3A_494, %get3A_495, %get3A_496] {strides = array<i32>} : memref<2x56x224xf32, #tpu.memory_space<vmem>>, vector<1x1x16xf32>,
        %get3A_498 = vector.shape_cast %get3A_497 : vector<1x1x16xf32> to vector<16xf32>
        %get3A_499 = arith.index_cast %rem3A_119 : i32 to index
        %get3A_500 = arith.index_cast %scan3A_307 : i32 to index
        %get3A_501 = arith.constant 144 : index
        %get3A_502 = tpu.vector_load %arg8[%get3A_499, %get3A_500, %get3A_501] {strides = array<i32>} : memref<2x56x224xf32, #tpu.memory_space<vmem>>, vector<1x1x16xf32>,
        %get3A_503 = vector.shape_cast %get3A_502 : vector<1x1x16xf32> to vector<16xf32>
        %sub3A_504 = arith.subf %get3A_493, %get3A_503 : vector<16xf32>
        %mul3A_505 = arith.mulf %sub3A_504, %get3A_498 : vector<16xf32>
        %mul3A_506 = arith.mulf %mul3A_505, %mul3A_505 : vector<16xf32>
        %add3A_507 = arith.addf %add3A_487, %mul3A_506 : vector<16xf32>
        %add3A_508 = arith.addf %add3A_488, %get3A_498 : vector<16xf32>
        %get3A_509 = arith.index_cast %rem3A_119 : i32 to index
        %get3A_510 = arith.index_cast %scan3A_307 : i32 to index
        %get3A_511 = arith.constant 160 : index
        %get3A_512 = tpu.vector_load %arg6[%get3A_509, %get3A_510, %get3A_511] {strides = array<i32>} : memref<2x56x224xf32, #tpu.memory_space<vmem>>, vector<1x1x16xf32>,
        %get3A_513 = vector.shape_cast %get3A_512 : vector<1x1x16xf32> to vector<16xf32>
        %get3A_514 = arith.index_cast %rem3A_119 : i32 to index
        %get3A_515 = arith.index_cast %scan3A_307 : i32 to index
        %get3A_516 = arith.constant 160 : index
        %get3A_517 = tpu.vector_load %arg7[%get3A_514, %get3A_515, %get3A_516] {strides = array<i32>} : memref<2x56x224xf32, #tpu.memory_space<vmem>>, vector<1x1x16xf32>,
        %get3A_518 = vector.shape_cast %get3A_517 : vector<1x1x16xf32> to vector<16xf32>
        %get3A_519 = arith.index_cast %rem3A_119 : i32 to index
        %get3A_520 = arith.index_cast %scan3A_307 : i32 to index
        %get3A_521 = arith.constant 160 : index
        %get3A_522 = tpu.vector_load %arg8[%get3A_519, %get3A_520, %get3A_521] {strides = array<i32>} : memref<2x56x224xf32, #tpu.memory_space<vmem>>, vector<1x1x16xf32>,
        %get3A_523 = vector.shape_cast %get3A_522 : vector<1x1x16xf32> to vector<16xf32>
        %sub3A_524 = arith.subf %get3A_513, %get3A_523 : vector<16xf32>
        %mul3A_525 = arith.mulf %sub3A_524, %get3A_518 : vector<16xf32>
        %mul3A_526 = arith.mulf %mul3A_525, %mul3A_525 : vector<16xf32>
        %add3A_527 = arith.addf %add3A_507, %mul3A_526 : vector<16xf32>
        %add3A_528 = arith.addf %add3A_508, %get3A_518 : vector<16xf32>
        %get3A_529 = arith.index_cast %rem3A_119 : i32 to index
        %get3A_530 = arith.index_cast %scan3A_307 : i32 to index
        %get3A_531 = arith.constant 176 : index
        %get3A_532 = tpu.vector_load %arg6[%get3A_529, %get3A_530, %get3A_531] {strides = array<i32>} : memref<2x56x224xf32, #tpu.memory_space<vmem>>, vector<1x1x16xf32>,
        %get3A_533 = vector.shape_cast %get3A_532 : vector<1x1x16xf32> to vector<16xf32>
        %get3A_534 = arith.index_cast %rem3A_119 : i32 to index
        %get3A_535 = arith.index_cast %scan3A_307 : i32 to index
        %get3A_536 = arith.constant 176 : index
        %get3A_537 = tpu.vector_load %arg7[%get3A_534, %get3A_535, %get3A_536] {strides = array<i32>} : memref<2x56x224xf32, #tpu.memory_space<vmem>>, vector<1x1x16xf32>,
        %get3A_538 = vector.shape_cast %get3A_537 : vector<1x1x16xf32> to vector<16xf32>
        %get3A_539 = arith.index_cast %rem3A_119 : i32 to index
        %get3A_540 = arith.index_cast %scan3A_307 : i32 to index
        %get3A_541 = arith.constant 176 : index
        %get3A_542 = tpu.vector_load %arg8[%get3A_539, %get3A_540, %get3A_541] {strides = array<i32>} : memref<2x56x224xf32, #tpu.memory_space<vmem>>, vector<1x1x16xf32>,
        %get3A_543 = vector.shape_cast %get3A_542 : vector<1x1x16xf32> to vector<16xf32>
        %sub3A_544 = arith.subf %get3A_533, %get3A_543 : vector<16xf32>
        %mul3A_545 = arith.mulf %sub3A_544, %get3A_538 : vector<16xf32>
        %mul3A_546 = arith.mulf %mul3A_545, %mul3A_545 : vector<16xf32>
        %add3A_547 = arith.addf %add3A_527, %mul3A_546 : vector<16xf32>
        %add3A_548 = arith.addf %add3A_528, %get3A_538 : vector<16xf32>
        %get3A_549 = arith.index_cast %rem3A_119 : i32 to index
        %get3A_550 = arith.index_cast %scan3A_307 : i32 to index
        %get3A_551 = arith.constant 192 : index
        %get3A_552 = tpu.vector_load %arg6[%get3A_549, %get3A_550, %get3A_551] {strides = array<i32>} : memref<2x56x224xf32, #tpu.memory_space<vmem>>, vector<1x1x16xf32>,
        %get3A_553 = vector.shape_cast %get3A_552 : vector<1x1x16xf32> to vector<16xf32>
        %get3A_554 = arith.index_cast %rem3A_119 : i32 to index
        %get3A_555 = arith.index_cast %scan3A_307 : i32 to index
        %get3A_556 = arith.constant 192 : index
        %get3A_557 = tpu.vector_load %arg7[%get3A_554, %get3A_555, %get3A_556] {strides = array<i32>} : memref<2x56x224xf32, #tpu.memory_space<vmem>>, vector<1x1x16xf32>,
        %get3A_558 = vector.shape_cast %get3A_557 : vector<1x1x16xf32> to vector<16xf32>
        %get3A_559 = arith.index_cast %rem3A_119 : i32 to index
        %get3A_560 = arith.index_cast %scan3A_307 : i32 to index
        %get3A_561 = arith.constant 192 : index
        %get3A_562 = tpu.vector_load %arg8[%get3A_559, %get3A_560, %get3A_561] {strides = array<i32>} : memref<2x56x224xf32, #tpu.memory_space<vmem>>, vector<1x1x16xf32>,
        %get3A_563 = vector.shape_cast %get3A_562 : vector<1x1x16xf32> to vector<16xf32>
        %sub3A_564 = arith.subf %get3A_553, %get3A_563 : vector<16xf32>
        %mul3A_565 = arith.mulf %sub3A_564, %get3A_558 : vector<16xf32>
        %mul3A_566 = arith.mulf %mul3A_565, %mul3A_565 : vector<16xf32>
        %add3A_567 = arith.addf %add3A_547, %mul3A_566 : vector<16xf32>
        %add3A_568 = arith.addf %add3A_548, %get3A_558 : vector<16xf32>
        %get3A_569 = arith.index_cast %rem3A_119 : i32 to index
        %get3A_570 = arith.index_cast %scan3A_307 : i32 to index
        %get3A_571 = arith.constant 208 : index
        %get3A_572 = tpu.vector_load %arg6[%get3A_569, %get3A_570, %get3A_571] {strides = array<i32>} : memref<2x56x224xf32, #tpu.memory_space<vmem>>, vector<1x1x16xf32>,
        %get3A_573 = vector.shape_cast %get3A_572 : vector<1x1x16xf32> to vector<16xf32>
        %get3A_574 = arith.index_cast %rem3A_119 : i32 to index
        %get3A_575 = arith.index_cast %scan3A_307 : i32 to index
        %get3A_576 = arith.constant 208 : index
        %get3A_577 = tpu.vector_load %arg7[%get3A_574, %get3A_575, %get3A_576] {strides = array<i32>} : memref<2x56x224xf32, #tpu.memory_space<vmem>>, vector<1x1x16xf32>,
        %get3A_578 = vector.shape_cast %get3A_577 : vector<1x1x16xf32> to vector<16xf32>
        %get3A_579 = arith.index_cast %rem3A_119 : i32 to index
        %get3A_580 = arith.index_cast %scan3A_307 : i32 to index
        %get3A_581 = arith.constant 208 : index
        %get3A_582 = tpu.vector_load %arg8[%get3A_579, %get3A_580, %get3A_581] {strides = array<i32>} : memref<2x56x224xf32, #tpu.memory_space<vmem>>, vector<1x1x16xf32>,
        %get3A_583 = vector.shape_cast %get3A_582 : vector<1x1x16xf32> to vector<16xf32>
        %sub3A_584 = arith.subf %get3A_573, %get3A_583 : vector<16xf32>
        %mul3A_585 = arith.mulf %sub3A_584, %get3A_578 : vector<16xf32>
        %mul3A_586 = arith.mulf %mul3A_585, %mul3A_585 : vector<16xf32>
        %add3A_587 = arith.addf %add3A_567, %mul3A_586 : vector<16xf32>
        %add3A_588 = arith.addf %add3A_568, %get3A_578 : vector<16xf32>
        scf.yield %add3A_587, %add3A_588 : vector<16xf32>, vector<16xf32>
      }
      %scan3A_306 = arith.constant 56 : i32
      scf.yield %scan3A_305#0, %scan3A_305#1 : vector<16xf32>, vector<16xf32>
    }
    %scan3A_103 = arith.constant 16 : i32
    %swap3A = arith.constant 0 : i32
    %swap3A_104 = arith.index_cast %swap3A : i32 to index
    %swap3A_105 = arith.constant 0 : index
    %swap3A_106 = tpu.vector_load %arg9[%swap3A_104, %swap3A_105] {strides = array<i32>} : memref<2x16xf32, #tpu.memory_space<vmem>>, vector<1x16xf32>,
    %swap3A_107 = vector.shape_cast %swap3A_106 : vector<1x16xf32> to vector<16xf32>
    %swap3A_108 = vector.shape_cast %scan3A_102#0 : vector<16xf32> to vector<1x16xf32>
    tpu.vector_store %arg9[%swap3A_104, %swap3A_105], %swap3A_108 {strides = array<i32>} : memref<2x16xf32, #tpu.memory_space<vmem>>, vector<1x16xf32>,
    %swap3A_109 = arith.constant 1 : i32
    %swap3A_110 = arith.index_cast %swap3A_109 : i32 to index
    %swap3A_111 = arith.constant 0 : index
    %swap3A_112 = tpu.vector_load %arg9[%swap3A_110, %swap3A_111] {strides = array<i32>} : memref<2x16xf32, #tpu.memory_space<vmem>>, vector<1x16xf32>,
    %swap3A_113 = vector.shape_cast %swap3A_112 : vector<1x16xf32> to vector<16xf32>
    %swap3A_114 = vector.shape_cast %scan3A_102#1 : vector<16xf32> to vector<1x16xf32>
    tpu.vector_store %arg9[%swap3A_110, %swap3A_111], %swap3A_114 {strides = array<i32>} : memref<2x16xf32, #tpu.memory_space<vmem>>, vector<1x16xf32>,
    "tpu.region"() ({
      %run_scoped3A = tpu.sem_alloc : memref<!tpu.dma_semaphore, #tpu.memory_space<semaphore_mem>>
      %dma_start3A_115 = arith.constant 0 : i32
      %dma_start3A_116 = arith.constant 0 : i32
      %dma_start3A_117 = tpu.memref_slice %arg5[%add3A, %dma_start3A_115, %dma_start3A_116] : memref<32x2x16xf32, #tpu.memory_space<hbm>> -> memref<1x2x16xf32, #tpu.memory_space<hbm>>
      %dma_start3A_118 = tpu.memref_squeeze %dma_start3A_117 : memref<1x2x16xf32, #tpu.memory_space<hbm>> -> memref<2x16xf32, #tpu.memory_space<hbm>>
      %dma_start3A_119 = arith.constant 0 : i32
      %dma_start3A_120 = arith.constant 0 : i32
      %dma_start3A_121 = tpu.memref_slice %arg5[%add3A, %dma_start3A_119, %dma_start3A_120] : memref<32x2x16xf32, #tpu.memory_space<hbm>> -> memref<1x2x16xf32, #tpu.memory_space<hbm>>
      %dma_start3A_122 = tpu.memref_squeeze %dma_start3A_121 : memref<1x2x16xf32, #tpu.memory_space<hbm>> -> memref<2x16xf32, #tpu.memory_space<hbm>>
      tpu.enqueue_dma source(%arg9 : memref<2x16xf32, #tpu.memory_space<vmem>>) target(%dma_start3A_122 : memref<2x16xf32, #tpu.memory_space<hbm>>) target_semaphore(%run_scoped3A : memref<!tpu.dma_semaphore, #tpu.memory_space<semaphore_mem>>)
      %dma_wait3A = arith.constant 0 : i32
      %dma_wait3A_123 = arith.constant 0 : i32
      %dma_wait3A_124 = tpu.memref_slice %arg5[%add3A, %dma_wait3A, %dma_wait3A_123] : memref<32x2x16xf32, #tpu.memory_space<hbm>> -> memref<1x2x16xf32, #tpu.memory_space<hbm>>
      %dma_wait3A_125 = tpu.memref_squeeze %dma_wait3A_124 : memref<1x2x16xf32, #tpu.memory_space<hbm>> -> memref<2x16xf32, #tpu.memory_space<hbm>>
      %dma_wait3A_126 = arith.constant 0 : i32
      %dma_wait3A_127 = arith.constant 0 : i32
      %dma_wait3A_128 = tpu.memref_slice %arg5[%add3A, %dma_wait3A_126, %dma_wait3A_127] : memref<32x2x16xf32, #tpu.memory_space<hbm>> -> memref<1x2x16xf32, #tpu.memory_space<hbm>>
      %dma_wait3A_129 = tpu.memref_squeeze %dma_wait3A_128 : memref<1x2x16xf32, #tpu.memory_space<hbm>> -> memref<2x16xf32, #tpu.memory_space<hbm>>
      tpu.wait_dma2 semaphore(%run_scoped3A : memref<!tpu.dma_semaphore, #tpu.memory_space<semaphore_mem>>) src(%arg9 : memref<2x16xf32, #tpu.memory_space<vmem>>) dst(%dma_wait3A_129 : memref<2x16xf32, #tpu.memory_space<hbm>>)
      tpu.yield
    }) : () -> ()
    return
  }
}

module attributes {stable_mosaic.version = 14 : i64} {
  func.func @_mse_body(%arg0: i32, %arg1: i32, %arg2: memref<1x16x224x224xf32, #tpu.memory_space<vmem>>, %arg3: memref<1x16x224x224xf32, #tpu.memory_space<vmem>>, %arg4: memref<1x16x224x224xf32, #tpu.memory_space<vmem>>, %arg5: memref<1x2x224xf32, #tpu.memory_space<vmem>>) attributes {dimension_semantics = [#tpu.dimension_semantics<arbitrary>, #tpu.dimension_semantics<arbitrary>], iteration_bounds = array<i64: 4, 4>, scalar_prefetch = 0 : i64, scratch_operands = 0 : i64, tpu.core_type = #tpu.core_type<tc>, window_params = [{transform_indices = @transform_0, window_bounds = array<i64: 1, 16, 224, 224>}, {transform_indices = @transform_1, window_bounds = array<i64: 1, 16, 224, 224>}, {transform_indices = @transform_2, window_bounds = array<i64: 1, 16, 224, 224>}, {transform_indices = @transform_3, window_bounds = array<i64: 1, 2, 224>}]} {
    %eq3A = arith.constant 0 : i32
    %eq3A_0 = arith.cmpi eq, %arg1, %eq3A : i32
    %convert_element_type3A = arith.extui %eq3A_0 : i1 to i32
    %cond3A = arith.constant 0 : i32
    %cond3A_1 = arith.cmpi ne, %convert_element_type3A, %cond3A : i32
    scf.if %cond3A_1 {
      %broadcast_in_dim3A = arith.constant 0.000000e+00 : f32
      %broadcast_in_dim3A_42 = vector.broadcast %broadcast_in_dim3A : f32 to vector<1x2x224xf32>
      %swap3A_43 = arith.constant 0 : index
      %swap3A_44 = arith.constant 0 : index
      %swap3A_45 = arith.constant 0 : index
      %swap3A_46 = vector.load %arg5[%swap3A_43, %swap3A_44, %swap3A_45] : memref<1x2x224xf32, #tpu.memory_space<vmem>>, vector<1x2x224xf32>
      tpu.vector_store %arg5[%swap3A_43, %swap3A_44, %swap3A_45], %broadcast_in_dim3A_42 {strides = array<i32>} : memref<1x2x224xf32, #tpu.memory_space<vmem>>, vector<1x2x224xf32>,
    } else {
    }
    %get3A = arith.constant 0 : index
    %get3A_2 = arith.constant 0 : index
    %get3A_3 = arith.constant 0 : index
    %get3A_4 = arith.constant 0 : index
    %get3A_5 = vector.load %arg2[%get3A, %get3A_2, %get3A_3, %get3A_4] : memref<1x16x224x224xf32, #tpu.memory_space<vmem>>, vector<1x16x224x224xf32>
    %get3A_6 = arith.constant 0 : index
    %get3A_7 = arith.constant 0 : index
    %get3A_8 = arith.constant 0 : index
    %get3A_9 = arith.constant 0 : index
    %get3A_10 = vector.load %arg3[%get3A_6, %get3A_7, %get3A_8, %get3A_9] : memref<1x16x224x224xf32, #tpu.memory_space<vmem>>, vector<1x16x224x224xf32>
    %get3A_11 = arith.constant 0 : index
    %get3A_12 = arith.constant 0 : index
    %get3A_13 = arith.constant 0 : index
    %get3A_14 = arith.constant 0 : index
    %get3A_15 = vector.load %arg4[%get3A_11, %get3A_12, %get3A_13, %get3A_14] : memref<1x16x224x224xf32, #tpu.memory_space<vmem>>, vector<1x16x224x224xf32>
    %sub3A = arith.subf %get3A_5, %get3A_15 : vector<1x16x224x224xf32>
    %mul3A = arith.mulf %sub3A, %get3A_10 : vector<1x16x224x224xf32>
    %mul3A_16 = arith.mulf %mul3A, %mul3A : vector<1x16x224x224xf32>
    %reduce_sum3A = arith.constant dense<0.000000e+00> : vector<224xf32>
    %reduce_sum3A_17 = vector.multi_reduction <add>, %mul3A_16, %reduce_sum3A [0, 1, 2] : vector<1x16x224x224xf32> to vector<224xf32>
    %reduce_sum3A_18 = arith.constant dense<0.000000e+00> : vector<224xf32>
    %reduce_sum3A_19 = vector.multi_reduction <add>, %get3A_10, %reduce_sum3A_18 [0, 1, 2] : vector<1x16x224x224xf32> to vector<224xf32>
    %get3A_20 = arith.constant 0 : index
    %get3A_21 = arith.constant 0 : index
    %get3A_22 = arith.constant 0 : index
    %get3A_23 = vector.load %arg5[%get3A_20, %get3A_21, %get3A_22] : memref<1x2x224xf32, #tpu.memory_space<vmem>>, vector<1x1x224xf32>
    %get3A_24 = vector.shape_cast %get3A_23 : vector<1x1x224xf32> to vector<224xf32>
    %add3A = arith.addf %get3A_24, %reduce_sum3A_17 : vector<224xf32>
    %swap3A = arith.constant 0 : index
    %swap3A_25 = arith.constant 0 : index
    %swap3A_26 = arith.constant 0 : index
    %swap3A_27 = vector.load %arg5[%swap3A, %swap3A_25, %swap3A_26] : memref<1x2x224xf32, #tpu.memory_space<vmem>>, vector<1x1x224xf32>
    %swap3A_28 = vector.shape_cast %swap3A_27 : vector<1x1x224xf32> to vector<224xf32>
    %swap3A_29 = vector.shape_cast %add3A : vector<224xf32> to vector<1x1x224xf32>
    tpu.vector_store %arg5[%swap3A, %swap3A_25, %swap3A_26], %swap3A_29 {strides = array<i32>} : memref<1x2x224xf32, #tpu.memory_space<vmem>>, vector<1x1x224xf32>,
    %get3A_30 = arith.constant 0 : index
    %get3A_31 = arith.constant 1 : index
    %get3A_32 = arith.constant 0 : index
    %get3A_33 = vector.load %arg5[%get3A_30, %get3A_31, %get3A_32] : memref<1x2x224xf32, #tpu.memory_space<vmem>>, vector<1x1x224xf32>
    %get3A_34 = vector.shape_cast %get3A_33 : vector<1x1x224xf32> to vector<224xf32>
    %add3A_35 = arith.addf %get3A_34, %reduce_sum3A_19 : vector<224xf32>
    %swap3A_36 = arith.constant 0 : index
    %swap3A_37 = arith.constant 1 : index
    %swap3A_38 = arith.constant 0 : index
    %swap3A_39 = vector.load %arg5[%swap3A_36, %swap3A_37, %swap3A_38] : memref<1x2x224xf32, #tpu.memory_space<vmem>>, vector<1x1x224xf32>
    %swap3A_40 = vector.shape_cast %swap3A_39 : vector<1x1x224xf32> to vector<224xf32>
    %swap3A_41 = vector.shape_cast %add3A_35 : vector<224xf32> to vector<1x1x224xf32>
    tpu.vector_store %arg5[%swap3A_36, %swap3A_37, %swap3A_38], %swap3A_41 {strides = array<i32>} : memref<1x2x224xf32, #tpu.memory_space<vmem>>, vector<1x1x224xf32>,
    return
  }
  func.func @transform_0(%arg0: i32, %arg1: i32) -> (i32, i32, i32, i32) {
    %add3A = arith.constant 2 : i32
    %add3A_0 = arith.addi %arg1, %add3A : i32
    %c0_i32 = arith.constant 0 : i32
    %c0_i32_1 = arith.constant 0 : i32
    %c0_i32_2 = arith.constant 0 : i32
    return %arg0, %add3A_0, %c0_i32, %c0_i32_1 : i32, i32, i32, i32
  }
  func.func @transform_1(%arg0: i32, %arg1: i32) -> (i32, i32, i32, i32) {
    %add3A = arith.constant 2 : i32
    %add3A_0 = arith.addi %arg1, %add3A : i32
    %c0_i32 = arith.constant 0 : i32
    %c0_i32_1 = arith.constant 0 : i32
    %c0_i32_2 = arith.constant 0 : i32
    return %arg0, %add3A_0, %c0_i32, %c0_i32_1 : i32, i32, i32, i32
  }
  func.func @transform_2(%arg0: i32, %arg1: i32) -> (i32, i32, i32, i32) {
    %add3A = arith.constant 2 : i32
    %add3A_0 = arith.addi %arg1, %add3A : i32
    %c0_i32 = arith.constant 0 : i32
    %c0_i32_1 = arith.constant 0 : i32
    %c0_i32_2 = arith.constant 0 : i32
    return %arg0, %add3A_0, %c0_i32, %c0_i32_1 : i32, i32, i32, i32
  }
  func.func @transform_3(%arg0: i32, %arg1: i32) -> (i32, i32, i32) {
    %c0_i32 = arith.constant 0 : i32
    %c0_i32_0 = arith.constant 0 : i32
    %c0_i32_1 = arith.constant 0 : i32
    return %arg0, %c0_i32, %c0_i32_0 : i32, i32, i32
  }
}

</mosaic_0001>

<sc_bundles>
// kernel: kernel.4.cloned.1.call-start
scs
__scs_entry_jumppad:
0x0: {  	(pc) =	sbr.rel $0x88, $3  }
0x1: {  	(tag) =	ssettag $0x0;
	lr =	simm.s32 $0x1  }
0x2: {  	[smem:$0x3F9E] =	sst lr;
	_ =	strace $0xD0000000  }
0x3: {  	_ = 	snop  }
0x4: {  	_ = 	snop  }
0x5: {  	_ = 	snop  }
0x6: {  	_ = 	snop  }
0x7: {  	_ = 	snop  }
__scs_overlays_trampoline_lowered:
0x8: {  	[smem:$0x3FAD] =	sst s0  }
0x9: {  	[smem:$0x3FAE] =	sst s1  }
0xa: {  	[smem:$0x3FAF] =	sst s2  }
0xb: {  	[smem:$0x3FB0] =	sst s3  }
0xc: {  	[smem:$0x3FB1] =	sst s4  }
0xd: {  	[smem:$0x3FB2] =	sst s5  }
0xe: {  	[smem:$0x3FB3] =	sst s6  }
0xf: {  	[smem:$0x3FB4] =	sst s7  }
0x10: {  	[smem:$0x3FB5] =	sst s8  }
0x11: {  	[smem:$0x3FB6] =	sst s9;
	s0 =	simm.s32 @!p0 $0x0  }
0x12: {  	s1 =	sld [smem:$0x3F9C];
	s0 =	simm.s32 @p0 $0x1  }
0x13: {  	[smem:$0x3FB7] =	sst s0;
	s0 =	simm.s32 @!p1 $0x0  }
0x14: {  	s2 =	sld [smem:$0x3F9B];
	s0 =	simm.s32 @p1 $0x1  }
0x15: {  	[smem:$0x3FB8] =	sst s0;
	s0 =	simm.s32 @!p2 $0x0  }
0x16: {  	s3 =	sld [smem:$0x3FDB];
	s0 =	simm.s32 @p2 $0x1  }
0x17: {  	s4 =	simm.s32 $0x1BF5;
	[smem:$0x3FBA] =	sst s0  }
0x18: {  	s0 =	sld [smem:$0x3F9D];
	_ =	swait.ge [sflag:s4], $0x0  }
0x19: {  	s7 =	sld [smem:$0x3F9E]  }
0x1a: {  	s8 =	sadd.s32 $0xFFFFE003, lr  }
0x1b: {  	s9 =	sadd.s32 $0xFFFFFEF7, lr;
	s5 =	simm.s32 $0xFFFFFFFF;
	p2 =	slt.u32 s8, $0xFFFFF086  }
0x1c: {  	p1 =	slt.u32 s9, $0xF7A;
	s5 =	simm.s32 @!p2 $0x0  }
0x1d: {  	s5 =	simm.s32 @p1 $0x1;
	p0 =	seq.s32 s7, s2  }
0x1e: {  	s7 =	smul.u32 @!p0 $0xF7A, s2;
	p2 =	seq.s32 @!p0 s5, $0x0  }
0x1f: {  	s9 =	smul.u32 $0xF7A, s1;
	s8 =	simm.s32 @!p0 $0x1BF5;
	p2 =	por !p2, p0  }
0x20: {  	[sflag:s8] =	ssyncset.s32 @!p0 $0xFFFFF086;
	s6 =	sadd.s32 @!p0 s3, s7;
	s7 =	simm.s32 @!p0 $0x108  }
0x21: {  	s3 =	sadd.s32 s3, s9;
	s6 =	sadd.s32 @!p0 $0x88, s6;
	s7 =	simm.s32 @p2 $0x1082  }
0x22: {  	[simem:s7], [sflag:s8] =	dma.local @!p0 [hbm:s6], $0xF7A  }
0x23: {  	s9 =	sor.u32 $0xD0000000, s2;
	s6 =	simm.s32 $0x108;
	_ =	swait.ge @!p0 [sflag:s8], $0x0  }
0x24: {  	s3 =	sadd.s32 $0x88, s3;
	s6 =	simm.s32 @!p1 $0x1082;
	[sflag:s4] =	ssyncset.s32 $0xFFFFF086  }
0x25: {  	[simem:s6], [sflag:s4] =	dma.local [hbm:s3], $0xF7A  }
0x26: {  	[smem:$0x3F9E] =	sst s1;
	(tag) =	ssettag s2;
	_ =	strace s9  }
0x27: {  	s1 =	sld [smem:$0x3FAE]  }
0x28: {  	s2 =	sld [smem:$0x3FAF]  }
0x29: {  	s4 =	sld [smem:$0x3FB1]  }
0x2a: {  	p0 =	seq.s32 s5, $0x0;
	s5 =	sld [smem:$0x3FB2]  }
0x2b: {  	s6 =	sld [smem:$0x3FB3]  }
0x2c: {  	s7 =	sld [smem:$0x3FB4]  }
0x2d: {  	s3 =	simm.s32 $0x108;
	s8 =	sld [smem:$0x3FB5]  }
0x2e: {  	s3 =	simm.s32 @!p0 $0x1082;
	s9 =	sld [smem:$0x3FB6]  }
0x2f: {  	lr =	sadd.s32 s0, s3;
	s0 =	sld [smem:$0x3FAD]  }
0x30: {  	s3 =	sld [smem:$0x3FB0]  }
0x31: {  	[smem:$0x3FB9] =	sst s10  }
0x32: {  	s10 =	sld [smem:$0x3FB7];
	_ =	sdelay $0x3  }
0x33: {  	p0 =	seq.s32 s10, $0x1;
	s10 =	sld [smem:$0x3FB9];
	_ =	sdelay $0x3  }
0x34: {  	[smem:$0x3FB9] =	sst s10  }
0x35: {  	s10 =	sld [smem:$0x3FB8];
	_ =	sdelay $0x3  }
0x36: {  	p1 =	seq.s32 s10, $0x1;
	s10 =	sld [smem:$0x3FB9];
	_ =	sdelay $0x3  }
0x37: {  	[smem:$0x3FB9] =	sst s10  }
0x38: {  	s10 =	sld [smem:$0x3FBA]  }
0x39: {  	_ = 	snop;
	(pc) =	sbr.ind lr, $3  }
0x3a: {  	_ = 	snop  }
0x3b: {  	_ = 	snop  }
0x3c: {  	p2 =	seq.s32 s10, $0x1;
	s10 =	sld [smem:$0x3FB9]  }
0x3d: {  	_ =	shalt  }
0x3e: {  	_ =	shalt  }
0x3f: {  	_ =	shalt  }
0x40: {  	_ =	shalt  }
0x41: {  	_ =	shalt  }
0x42: {  	_ =	shalt  }
0x43: {  	_ =	shalt  }
0x44: {  	_ =	shalt  }
0x45: {  	_ =	shalt  }
0x46: {  	_ =	shalt  }
0x47: {  	_ =	shalt  }
0x48: {  	_ =	shalt  }
0x49: {  	_ =	shalt  }
0x4a: {  	_ =	shalt  }
0x4b: {  	_ =	shalt  }
0x4c: {  	_ =	shalt  }
0x4d: {  	_ =	shalt  }
0x4e: {  	_ =	shalt  }
0x4f: {  	_ =	shalt  }
0x50: {  	_ =	shalt  }
0x51: {  	_ =	shalt  }
0x52: {  	_ =	shalt  }
0x53: {  	_ =	shalt  }
0x54: {  	_ =	shalt  }
0x55: {  	_ =	shalt  }
0x56: {  	_ =	shalt  }
0x57: {  	_ =	shalt  }
0x58: {  	_ =	shalt  }
0x59: {  	_ =	shalt  }
0x5a: {  	_ =	shalt  }
0x5b: {  	_ =	shalt  }
0x5c: {  	_ =	shalt  }
0x5d: {  	_ =	shalt  }
0x5e: {  	_ =	shalt  }
0x5f: {  	_ =	shalt  }
0x60: {  	_ =	shalt  }
0x61: {  	_ =	shalt  }
0x62: {  	_ =	shalt  }
0x63: {  	_ =	shalt  }
0x64: {  	_ =	shalt  }
0x65: {  	_ =	shalt  }
0x66: {  	_ =	shalt  }
0x67: {  	_ =	shalt  }
0x68: {  	_ =	shalt  }
0x69: {  	_ =	shalt  }
0x6a: {  	_ =	shalt  }
0x6b: {  	_ =	shalt  }
0x6c: {  	_ =	shalt  }
0x6d: {  	_ =	shalt  }
0x6e: {  	_ =	shalt  }
0x6f: {  	_ =	shalt  }
0x70: {  	_ =	shalt  }
0x71: {  	_ =	shalt  }
0x72: {  	_ =	shalt  }
0x73: {  	_ =	shalt  }
0x74: {  	_ =	shalt  }
0x75: {  	_ =	shalt  }
0x76: {  	_ =	shalt  }
0x77: {  	_ =	shalt  }
0x78: {  	_ =	shalt  }
0x79: {  	_ =	shalt  }
0x7a: {  	_ =	shalt  }
0x7b: {  	_ =	shalt  }
0x7c: {  	_ =	shalt  }
0x7d: {  	_ =	shalt  }
0x7e: {  	_ =	shalt  }
0x7f: {  	_ =	shalt  }
0x80: {  	_ =	shalt  }
0x81: {  	_ =	shalt  }
0x82: {  	_ =	shalt  }
0x83: {  	_ =	shalt  }
0x84: {  	_ =	shalt  }
0x85: {  	_ =	shalt  }
0x86: {  	_ =	shalt  }
0x87: {  	_ =	shalt  }
.Lfunc_end0:
.L_simem_size_0:
called_computation_lowered:
.L_overlay_start_0:
0x88: {  	s2 =	sld [smem:$0x3FD9]  }
0x89: {  	s3 =	sld [smem:$0x3FFE];
	_ =	sdelay $0x1  }
0x8a: {  	s1 =	srdreg.scid  }
0x8b: {  	s0 =	sand.u32 $0x1, s1  }
0x8c: {  	s15 =	sshll.u32 s0, $0xA;
	s2 =	sadd.s32 s3, s2  }
0x8d: {  	s2 =	sadd.s32 s2, s15  }
0x8e: {  	[smem:$0x3FC5] =	sst s2  }
0x8f: {  	_ = 	snop  }
0x90: {  	s2 =	sld [smem:$0x3FD0]  }
0x91: {  	s16 =	sld [smem:$0x3FC9]  }
0x92: {  	s4 =	sld [smem:$0x3FC8]  }
0x93: {  	s6 =	simm.s32 $0xA;
	s7 =	simm.s32 $0x10;
	s5 =	sld [smem:$0x3FC7]  }
0x94: {  	[smem:s7], [sflag:s6] =	dma.local [hbm:s2], $0x1  }
0x95: {  	_ =	swait.eq [sflag:s6], $0x1  }
0x96: {  	[sflag:s6] =	ssyncset.done $0x0  }
0x97: {  	[sflag:s6] =	ssyncadd.s32 $0xFFFFFFFF  }
0x98: {  	s17 =	sld [smem:$0x12];
	(tm) =	ssettm $0x1  }
0x99: {  	s18 =	sld [smem:$0x3FFB];
	_ =	sdelay $0x3  }
0x9a: {  	_ =	strace s18  }
0x9b: {  	s6 =	sld [smem:$0x3FFC];
	_ =	sdelay $0x3  }
0x9c: {  	_ =	strace s6  }
0x9d: {  	s6 =	sld [smem:$0x3FFD];
	_ =	sdelay $0x3  }
0x9e: {  	_ =	strace s6  }
0x9f: {  	_ =	strace $0x8FFFFFFF  }
0xa0: {  	s19 =	sld [smem:$0x3FDB];
	_ =	sdelay $0x1  }
0xa1: {  	s20 =	simm.s32 $_scs_section_size  }
0xa2: {  	s8 =	simm.s32 $_size__tile_overlayer_lowered;
	s9 =	simm.s32 $_tile_overlayer_lowered  }
0xa3: {  	s23 =	simm.s32 $0x1BFF;
	s22 =	sshll.u32 s9, $0x1;
	s6 =	sadd.s32 s20, s19  }
0xa4: {  	s10 =	simm.s32 $0x0;
	s21 =	sshll.u32 s8, $0x1;
	s8 =	sadd.s32 s22, s6  }
0xa5: {  	[timem:s10], [sflag:s23] =	dma.local [hbm:s8], s21  }
0xa6: {  	_ =	swait.ge [sflag:s23], s21  }
0xa7: {  	s7 =	ssub.s32 $0x0, s21;
	[sflag:s23] =	ssyncset.done $0x0  }
0xa8: {  	[sflag:s23] =	ssyncadd.s32 s7;
	_ =	sdelay $0x1  }
0xa9: {  	s24 =	simm.s32 $0x1B8B  }
0xaa: {  	_ =	swait.ge [sflag:s24], $0x1  }
0xab: {  	[sflag:s24] =	ssyncset.done $0x0  }
0xac: {  	s25 =	simm.s32 $0x1B8E;
	[sflag:s24] =	ssyncadd.s32 $0xFFFFFFFF  }
0xad: {  	s26 =	simm.s32 $execute0_lowered;
	[smem:$0x3FD2] =	sst s25  }
0xae: {  	s7 =	sshll.u32 s26, $0x1;
	_ =	strace $0x80000046;
	[dreg:$0x1] =	wrdreg $0xFFFFFFFF  }
0xaf: {  	s28 =	simm.s32 $_size_execute0_lowered;
	s6 =	sadd.s32 s6, s7;
	[dreg:$0x0] =	wrdreg $0x0  }
0xb0: {  	s7 =	sshll.u32 s28, $0x1;
	[dreg:$0x2] =	wrdreg s6  }
0xb1: {  	[dreg:$0x3] =	wrdreg s7  }
0xb2: {  	[dreg:$0x4] =	wrdreg $0xC0  }
0xb3: {  	_ =	task [dreg:s10], $0x5FFFF  }
0xb4: {  	[dreg:$0x1] =	wrdreg $0xFFFFFFFF  }
0xb5: {  	[dreg:$0x0] =	wrdreg $0x60  }
0xb6: {  	[dreg:$0x2] =	wrdreg s16  }
0xb7: {  	[dreg:$0x3] =	wrdreg s4  }
0xb8: {  	[dreg:$0x4] =	wrdreg s5  }
0xb9: {  	[dreg:$0x5] =	wrdreg s17  }
0xba: {  	[dreg:$0x6] =	wrdreg $0x9  }
0xbb: {  	_ =	task.clear_ibuf [dreg:s10], $0x7FFFF;
	_ =	strace $0x90000046  }
0xbc: {  	s29 =	simm.s32 $0x9;
	_ =	strace $0x80000048  }
0xbd: {  	_ =	swait.ge [sflag:s29], $0x1  }
0xbe: {  	[sflag:s29] =	ssyncadd.s32 $0xFFFFFFFF  }
0xbf: {  	_ =	strace $0x90000048  }
0xc0: {  	_ =	sfence  }
0xc1: {  	s30 =	sld [smem:$0x0];
	_ =	sdelay $0x2  }
0xc2: {  	s31 =	sshll.u32 s1, $0xD;
	s1 =	sshrl.u32 s1, $0x2  }
0xc3: {  	s3 =	sand.u32 $0x4000, s31;
	s1 =	sadd.s32 s1, s30  }
0xc4: {  	s0 =	sor.u32 s3, s0;
	s1 =	sshll.u32 s1, $0x11  }
0xc5: {  	s0 =	sor.u32 s1, s0  }
0xc6: {  	s0 =	sadd.s32 $0x8F2B, s0  }
0xc7: {  	[sflag:s0] =	ssyncadd.remote.s32 $0x1  }
0xc8: {  	_ =	sfence.sel $0xFFFF  }
0xc9: {  	[dreg:$0x0] =	wrdreg $0xFFFFFFFF;
	(pc) =	sbr.abs _section_cstart, $3  }
0xca: {  	[dreg:$0x1] =	wrdreg $0xFFFFFFFF  }
0xcb: {  	_ =	task.clear_ibuf [dreg:s10], $0x2FFFF;
	_ =	strace $0x9FFFFFFF  }
0xcc: {  	(tm) =	ssettm $0x7FFFFFFF  }
0xcd: {  	_ =	shalt  }
tec
execute0_lowered:
.L_overlay_start_1:
0x0: {  	(tag) =	ssettag $0x1  }
0x1: {  	s2 =	srdreg.scid;
	s1 =	rddreg [dreg:$0x0]  }
0x2: {  	s0 =	stileid.u32;
	s4 =	rddreg [dreg:$0x2]  }
0x3: {  	s11 =	rddreg [dreg:$0x3];
	s6 =	simm.s32 $0x0;
	s14 =	simm.s32 $0xE000  }
0x4: {  	s15 =	simm.s32 $0x15000;
	s16 =	simm.s32 $0x7;
	s17 =	simm.s32 $0x0  }
0x5: {  	s7 =	sand.u32 $0x1, s2;
	s3 =	sshll.u32 s0, $0x1;
	s2 =	rddreg [dreg:$0x1]  }
0x6: {  	s31 =	sshrl.u32 s0, $0x2;
	[smem:$0x7FF] =	sst s6;
	s9 =	sor.u32 s7, s3  }
0x7: {  	s5 =	smul.u32 $0x540000, s31;
	s7 =	ssub.s32 $0x2, s7;
	s8 =	sand.u32 $0x7, s9  }
0x8: {  	s3 =	rddreg [dreg:$0x4];
	s12 =	sshrl.u32 s7, $0x1;
	s10 =	smul.u32 $0x38000, s8  }
0x9: {  	_ =	strace $0x80000047;
	s13 =	sshll.u32 s9, $0x5;
	s12 =	ssub.s32 s7, s12  }
0xa: {  	s7 =	sshll.u32 s8, $0x2;
	s11 =	sadd.s32 s11, s13;
	s10 =	sadd.s32 s5, s10  }
0xb: {  	s13 =	simm.s32 $0x7000;
	s12 =	smax.u32 s12, $0x1;
	s10 =	sshrl.u32 s10, $0x3  }
0xc: {  	s8 =	sadd.s32 s1, s10;
	s9 =	sadd.s32 s2, s10;
	s10 =	sadd.s32 s4, s10  }
.LBB2_1:
0xd: {  	[tilespmem:s6], [sflag:$0x1] =	stream.linear.gather [hbm4b:s8+s6], $0x3800, $0x38;
	[tilespmem:$0x15100] =	vst v63  }
0xe: {  	_ = 	snop  }
0xf: {  	[tilespmem:s13], [sflag:$0x3] =	stream.linear.gather [hbm4b:s9+s6], $0x3800, $0x38;
	[tilespmem:$0x15100] =	vst v63  }
0x10: {  	s18 =	simm.s32 $0x0  }
0x11: {  	v9 =	vimm.f32 $0.0e+00;
	v10 =	vimm.f32 $0.0e+00;
	[tilespmem:s14], [sflag:$0x5] =	stream.linear.gather [hbm4b:s10+s6], $0x3800, $0x38;
	[tilespmem:$0x15100] =	vst v63  }
.LBB2_3:
0x12: {  	s19 =	smov.u32 s18  }
0x13: {  	s18 =	sadd.s32 $0x1, s18;
	p0 =	seq.s32 s19, $0xF  }
0x14: {  	s20 =	sshrl.u32 @!p0 s18, $0x2;
	s21 =	sand.u32 @!p0 $0x3, s18  }
0x15: {  	s20 =	sadd.s32 @!p0 s7, s20;
	s21 =	smul.u32 @!p0 $0x3800, s21  }
0x16: {  	s20 =	smul.u32 @!p0 $0xE000, s20  }
0x17: {  	s21 =	sor.u32 @!p0 s5, s21  }
0x18: {  	s19 =	sand.u32 $0x1, s19;
	s22 =	sand.u32 @!p0 $0x1, s18;
	s20 =	sadd.s32 @!p0 s20, s21  }
0x19: {  	s25 =	simm.s32 @!p0 $0x0;
	s21 =	smul.u32 @!p0 $0x3800, s22;
	s20 =	sshrl.u32 @!p0 s20, $0x3  }
0x1a: {  	s23 =	sadd.s32 @!p0 $0x1, s22;
	s24 =	sadd.s32 @!p0 s1, s20;
	s26 =	sadd.s32 @!p0 s2, s20  }
0x1b: {  	[tilespmem:s21], [sflag:s23] =	stream.linear.gather @!p0 [hbm4b:s24+s25], $0x3800, $0x38;
	[tilespmem:$0x15100] =	vst v63  }
0x1c: {  	s20 =	sadd.s32 @!p0 s4, s20;
	s23 =	sadd.s32 @!p0 $0x7000, s21;
	s24 =	sadd.s32 @!p0 $0x3, s22  }
0x1d: {  	[tilespmem:s23], [sflag:s24] =	stream.linear.gather @!p0 [hbm4b:s26+s25], $0x3800, $0x38;
	[tilespmem:$0x15100] =	vst v63  }
0x1e: {  	s21 =	sadd.s32 @!p0 $0xE000, s21;
	s22 =	sadd.s32 @!p0 $0x5, s22;
	s26 =	sadd.s32 $0x1, s19  }
0x1f: {  	[tilespmem:s21], [sflag:s22] =	stream.linear.gather @!p0 [hbm4b:s20+s25], $0x3800, $0x38;
	[tilespmem:$0x15100] =	vst v63  }
0x20: {  	_ =	swait.ge [sflag:s26], $0x3800  }
0x21: {  	[sflag:s26] =	ssyncset.done $0x0  }
0x22: {  	s28 =	sadd.s32 $0x3, s19;
	[sflag:s26] =	ssyncadd.s32 $0xFFFFC800  }
0x23: {  	_ =	swait.ge [sflag:s28], $0x3800  }
0x24: {  	s29 =	sadd.s32 $0x5, s19;
	[sflag:s28] =	ssyncset.done $0x0  }
0x25: {  	s20 =	smul.u32 $0x3800, s19;
	s21 =	simm.s32 $0x0;
	[sflag:s28] =	ssyncadd.s32 $0xFFFFC800  }
0x26: {  	s30 =	sand.u32 $0x3800, s21;
	_ =	swait.ge [sflag:s29], $0x3800  }
0x27: {  	s31 =	sand.u32 $0x380, s21;
	s19 =	sadd.s32 s20, s30;
	[sflag:s29] =	ssyncset.done $0x0  }
0x28: {  	s19 =	sor.u32 s31, s19;
	[sflag:s29] =	ssyncadd.s32 $0xFFFFC800  }
0x29: {  	v0 =	vld [tilespmem:s19+$0x7440]  }
0x2a: {  	v1 =	vld [tilespmem:s19+$0x7430]  }
0x2b: {  	v3 =	vld [tilespmem:s19+$0x7420]  }
0x2c: {  	v2 =	vld [tilespmem:s19+$0x7410]  }
0x2d: {  	v4 =	vld [tilespmem:s19+$0x7400]  }
0x2e: {  	v5 =	vld [tilespmem:s19+$0x7070]  }
0x2f: {  	v6 =	vld [tilespmem:s19+$0x7060]  }
0x30: {  	v7 =	vld [tilespmem:s19+$0x7050]  }
0x31: {  	v8 =	vld [tilespmem:s19+$0x7040]  }
0x32: {  	v11 =	vld [tilespmem:s19+$0x7030]  }
0x33: {  	v12 =	vld [tilespmem:s19+$0x7020]  }
0x34: {  	v13 =	vld [tilespmem:s19+$0xE030]  }
0x35: {  	s22 =	simm.s32 $0x100;
	v14 =	vld [tilespmem:s19+$0xE020]  }
.LBB2_4:
0x36: {  	p0 =	seq.s32 s22, $0x3700;
	v15 =	vld [tilespmem:s19+$0x7000]  }
0x37: {  	v16 =	vld [tilespmem:s19+$0x0]  }
0x38: {  	v17 =	vld [tilespmem:s19+$0xE000]  }
0x39: {  	s23 =	sor.u32 $0x10, s19;
	v18 =	vld [tilespmem:s19+$0xE010]  }
0x3a: {  	v19 =	vld [tilespmem:s23+$0x0];
	s23 =	sor.u32 $0x20, s19  }
0x3b: {  	v20 =	vld [tilespmem:s23+$0x0]  }
0x3c: {  	s23 =	sor.u32 $0x30, s19;
	v21 =	vld [tilespmem:s19+$0x7010]  }
0x3d: {  	v16 =	vsub.f32 v16, v17;
	v17 =	vld [tilespmem:s23+$0x0]  }
0x3e: {  	s23 =	sor.u32 $0x40, s19;
	v22 =	vld [tilespmem:s19+$0xE040]  }
0x3f: {  	v16 =	vmul.f32 v16, v15;
	v18 =	vsub.f32 v19, v18;
	v19 =	vld [tilespmem:s23+$0x0]  }
0x40: {  	s23 =	sor.u32 $0x50, s19;
	v14 =	vsub.f32 v20, v14;
	v20 =	vld [tilespmem:s19+$0xE050]  }
0x41: {  	v16 =	vmul.f32 v16, v16;
	v18 =	vmul.f32 v18, v21;
	v23 =	vld [tilespmem:s23+$0x0]  }
0x42: {  	s23 =	sor.u32 $0x60, s19;
	v14 =	vmul.f32 v14, v12;
	v13 =	vsub.f32 v17, v13;
	v17 =	vld [tilespmem:s19+$0xE060]  }
0x43: {  	v9 =	vadd.f32 v15, v9;
	v10 =	vadd.f32 v16, v10;
	v15 =	vmul.f32 v18, v18;
	v16 =	vld [tilespmem:s23+$0x0]  }
0x44: {  	s23 =	sor.u32 $0x70, s19;
	v13 =	vmul.f32 v13, v11;
	v18 =	vsub.f32 v19, v22;
	v19 =	vld [tilespmem:s19+$0xE070]  }
0x45: {  	v9 =	vadd.f32 v21, v9;
	v14 =	vmul.f32 v14, v14;
	v10 =	vadd.f32 v15, v10;
	v15 =	vld [tilespmem:s23+$0x0]  }
0x46: {  	s23 =	sor.u32 $0x400, s19;
	v18 =	vmul.f32 v18, v8;
	v20 =	vsub.f32 v23, v20;
	v21 =	vld [tilespmem:s19+$0xE400]  }
0x47: {  	v9 =	vadd.f32 v12, v9;
	v12 =	vmul.f32 v13, v13;
	v10 =	vadd.f32 v14, v10;
	v13 =	vld [tilespmem:s23+$0x0]  }
0x48: {  	s23 =	sor.u32 $0x410, s19;
	v14 =	vmul.f32 v20, v7;
	v16 =	vsub.f32 v16, v17;
	v17 =	vld [tilespmem:s19+$0xE410]  }
0x49: {  	v9 =	vadd.f32 v11, v9;
	v11 =	vmul.f32 v18, v18;
	v10 =	vadd.f32 v12, v10;
	v12 =	vld [tilespmem:s23+$0x0]  }
0x4a: {  	s23 =	sor.u32 $0x420, s19;
	v16 =	vmul.f32 v16, v6;
	v15 =	vsub.f32 v15, v19;
	v18 =	vld [tilespmem:s19+$0xE420]  }
0x4b: {  	v8 =	vadd.f32 v8, v9;
	v9 =	vmul.f32 v14, v14;
	v10 =	vadd.f32 v11, v10;
	v11 =	vld [tilespmem:s23+$0x0]  }
0x4c: {  	s23 =	sor.u32 $0x430, s19;
	v14 =	vmul.f32 v15, v5;
	v13 =	vsub.f32 v13, v21;
	v15 =	vld [tilespmem:s19+$0xE430]  }
0x4d: {  	v7 =	vadd.f32 v7, v8;
	v8 =	vmul.f32 v16, v16;
	v9 =	vadd.f32 v9, v10;
	v10 =	vld [tilespmem:s23+$0x0]  }
0x4e: {  	s23 =	sor.u32 $0x440, s19;
	v13 =	vmul.f32 v13, v4;
	v12 =	vsub.f32 v12, v17;
	v16 =	vld [tilespmem:s19+$0xE440]  }
0x4f: {  	v6 =	vadd.f32 v6, v7;
	v7 =	vmul.f32 v14, v14;
	v8 =	vadd.f32 v8, v9;
	v9 =	vld [tilespmem:s23+$0x0]  }
0x50: {  	s24 =	sor.u32 $0x450, s19;
	s21 =	sadd.s32 $0x80, s21;
	s23 =	sand.u32 $0x3800, s22;
	v12 =	vmul.f32 v12, v2;
	v11 =	vsub.f32 v11, v18;
	v14 =	vld [tilespmem:s19+$0xE450]  }
0x51: {  	s25 =	sand.u32 $0x380, s21;
	v5 =	vadd.f32 v5, v6;
	s23 =	sadd.s32 s20, s23;
	v6 =	vmul.f32 v13, v13;
	v7 =	vadd.f32 v7, v8;
	v8 =	vld [tilespmem:s24+$0x0]  }
0x52: {  	v11 =	vmul.f32 v11, v3;
	v10 =	vsub.f32 v10, v15;
	v13 =	vld [tilespmem:s19+$0x7450];
	s19 =	sor.u32 s25, s23  }
0x53: {  	v4 =	vadd.f32 v4, v5;
	v5 =	vmul.f32 v12, v12;
	v15 =	vld [tilespmem:s19+$0x7440];
	v6 =	vadd.f32 v6, v7  }
0x54: {  	v7 =	vld [tilespmem:s19+$0x7430];
	v10 =	vmul.f32 v10, v1;
	v9 =	vsub.f32 v9, v16  }
0x55: {  	v11 =	vmul.f32 v11, v11;
	v12 =	vld [tilespmem:s19+$0x7420];
	v5 =	vadd.f32 v5, v6;
	v6 =	vadd.f32 v2, v4  }
0x56: {  	v2 =	vld [tilespmem:s19+$0x7410];
	v9 =	vmul.f32 v9, v0;
	v8 =	vsub.f32 v8, v14  }
0x57: {  	v10 =	vmul.f32 v10, v10;
	v4 =	vld [tilespmem:s19+$0x7400];
	v11 =	vadd.f32 v11, v5;
	v16 =	vadd.f32 v3, v6  }
0x58: {  	v5 =	vld [tilespmem:s19+$0x7070];
	v14 =	vmul.f32 v8, v13  }
0x59: {  	v9 =	vmul.f32 v9, v9;
	v6 =	vld [tilespmem:s19+$0x7060];
	v10 =	vadd.f32 v10, v11;
	v11 =	vadd.f32 v1, v16;
	v1 =	vmovc v7  }
0x5a: {  	v7 =	vld [tilespmem:s19+$0x7050];
	v3 =	vmov v12  }
.Ltmp0:
0x5b: {  	v8 =	vld [tilespmem:s19+$0x7040];
	v9 =	vadd.f32 v9, v10;
	v16 =	vadd.f32 v0, v11;
	v10 =	vmul.f32 v14, v14;
	v0 =	vmovc v15;
	(pc) =	sbr.rel @!p0 .LBB2_4-.Ltmp0, $4  }
0x5c: {  	v11 =	vld [tilespmem:s19+$0x7030]  }
0x5d: {  	v12 =	vld [tilespmem:s19+$0x7020];
	v10 =	vadd.f32 v10, v9;
	v9 =	vadd.f32 v13, v16  }
0x5e: {  	v13 =	vld [tilespmem:s19+$0xE030]  }
0x5f: {  	s22 =	sadd.s32 $0x100, s22;
	v14 =	vld [tilespmem:s19+$0xE020]  }
0x60: {  	v15 =	vld [tilespmem:s19+$0x7000]  }
0x61: {  	v16 =	vld [tilespmem:s19+$0x0]  }
0x62: {  	v17 =	vld [tilespmem:s19+$0xE000]  }
0x63: {  	s20 =	sor.u32 $0x10, s19;
	v18 =	vld [tilespmem:s19+$0xE010]  }
0x64: {  	v19 =	vld [tilespmem:s20+$0x0]  }
0x65: {  	s30 =	sor.u32 $0x20, s19;
	v21 =	vld [tilespmem:s19+$0x7010]  }
0x66: {  	s31 =	sor.u32 $0x30, s19;
	v20 =	vld [tilespmem:s30+$0x0]  }
0x67: {  	v26 =	vld [tilespmem:s31+$0x0];
	v16 =	vsub.f32 v16, v17  }
0x68: {  	s21 =	sor.u32 $0x40, s19;
	v22 =	vld [tilespmem:s19+$0xE040]  }
0x69: {  	v27 =	vld [tilespmem:s21+$0x0];
	v18 =	vsub.f32 v19, v18;
	v16 =	vmul.f32 v16, v15  }
0x6a: {  	s22 =	sor.u32 $0x50, s19;
	v28 =	vld [tilespmem:s19+$0xE050]  }
0x6b: {  	v23 =	vld [tilespmem:s22+$0x0];
	v14 =	vsub.f32 v20, v14;
	v18 =	vmul.f32 v18, v21;
	v16 =	vmul.f32 v16, v16  }
0x6c: {  	v29 =	vld [tilespmem:s19+$0xE060];
	v9 =	vadd.f32 v15, v9;
	v13 =	vsub.f32 v26, v13  }
0x6d: {  	s23 =	sor.u32 $0x60, s19;
	v33 =	vld [tilespmem:s19+$0xE070];
	v14 =	vmul.f32 v14, v12;
	v30 =	vmul.f32 v18, v18;
	v10 =	vadd.f32 v16, v10  }
0x6e: {  	s24 =	sor.u32 $0x70, s19;
	v31 =	vld [tilespmem:s23+$0x0];
	v32 =	vsub.f32 v27, v22;
	v9 =	vadd.f32 v21, v9  }
0x6f: {  	v34 =	vld [tilespmem:s24+$0x0];
	v13 =	vmul.f32 v13, v11;
	v14 =	vmul.f32 v14, v14;
	v10 =	vadd.f32 v30, v10  }
0x70: {  	v35 =	vld [tilespmem:s19+$0xE400];
	v20 =	vsub.f32 v23, v28;
	v9 =	vadd.f32 v12, v9  }
0x71: {  	s25 =	sor.u32 $0x400, s19;
	v39 =	vld [tilespmem:s19+$0xE410];
	v18 =	vmul.f32 v32, v8;
	v36 =	vmul.f32 v13, v13;
	v10 =	vadd.f32 v14, v10  }
0x72: {  	s26 =	sor.u32 $0x410, s19;
	v37 =	vld [tilespmem:s25+$0x0];
	v38 =	vmul.f32 v20, v7;
	v9 =	vadd.f32 v11, v9  }
0x73: {  	v40 =	vld [tilespmem:s26+$0x0];
	v16 =	vsub.f32 v31, v29;
	v11 =	vmul.f32 v18, v18;
	v10 =	vadd.f32 v36, v10  }
0x74: {  	v41 =	vld [tilespmem:s19+$0xE420];
	v15 =	vsub.f32 v34, v33;
	v8 =	vadd.f32 v8, v9  }
0x75: {  	s28 =	sor.u32 $0x420, s19;
	v43 =	vld [tilespmem:s19+$0xE430];
	v16 =	vmul.f32 v16, v6;
	v9 =	vmul.f32 v38, v38;
	v10 =	vadd.f32 v11, v10  }
0x76: {  	v42 =	vmul.f32 v15, v5;
	v44 =	vadd.f32 v7, v8;
	v11 =	vld [tilespmem:s28+$0x0]  }
0x77: {  	s29 =	sor.u32 $0x430, s19;
	v45 =	vld [tilespmem:s19+$0xE440];
	v13 =	vsub.f32 v37, v35;
	v8 =	vmul.f32 v16, v16;
	v9 =	vadd.f32 v9, v10  }
0x78: {  	s30 =	sor.u32 $0x440, s19;
	v12 =	vsub.f32 v40, v39;
	v46 =	vadd.f32 v6, v44;
	v10 =	vld [tilespmem:s29+$0x0]  }
0x79: {  	v47 =	vmul.f32 v42, v42;
	v13 =	vmul.f32 v13, v4;
	v8 =	vadd.f32 v8, v9;
	v9 =	vld [tilespmem:s30+$0x0]  }
0x7a: {  	v12 =	vmul.f32 v12, v2;
	v49 =	vadd.f32 v5, v46  }
0x7b: {  	v48 =	vld [tilespmem:s19+$0xE450];
	s31 =	sor.u32 $0x450, s19;
	v50 =	vmul.f32 v13, v13;
	v11 =	vsub.f32 v11, v41;
	v7 =	vadd.f32 v47, v8  }
0x7c: {  	v53 =	vmul.f32 v12, v12;
	v52 =	vadd.f32 v4, v49;
	v8 =	vld [tilespmem:s31+$0x0]  }
0x7d: {  	v11 =	vmul.f32 v11, v3;
	v10 =	vsub.f32 v10, v43;
	v6 =	vadd.f32 v50, v7  }
0x7e: {  	v51 =	vld [tilespmem:s19+$0x7450];
	v55 =	vadd.f32 v2, v52;
	v9 =	vsub.f32 v9, v45  }
0x7f: {  	v54 =	vmul.f32 v10, v1;
	v56 =	vmul.f32 v11, v11;
	v5 =	vadd.f32 v53, v6  }
0x80: {  	v2 =	vadd.f32 v3, v55;
	v57 =	vmul.f32 v9, v0  }
0x81: {  	v8 =	vsub.f32 v8, v48;
	v58 =	vmul.f32 v54, v54;
	v4 =	vadd.f32 v56, v5  }
0x82: {  	v60 =	vadd.f32 v1, v2  }
0x83: {  	v59 =	vmul.f32 v8, v51;
	v61 =	vmul.f32 v57, v57;
	v3 =	vadd.f32 v58, v4;
	_ =	sdelay $0x1  }
0x84: {  	v62 =	vadd.f32 v0, v60;
	v63 =	vmul.f32 v59, v59;
	v2 =	vadd.f32 v61, v3;
	_ =	sdelay $0x1  }
0x85: {  	v9 =	vadd.f32 v51, v62;
	v10 =	vadd.f32 v63, v2  }
0x86: {  	p0 =	seq.s32 s18, $0x10  }
.Ltmp1:
0x87: {  	_ = 	snop;
	(pc) =	sbr.rel @!p0 .LBB2_3-.Ltmp1, $1  }
0x88: {  	_ =	sdelay $0x3  }
0x89: {  	s17 =	sadd.s32 $0x1, s17  }
0x8a: {  	[tilespmem:$0x15000] =	vst v10;
	p0 =	sne.s32 s17, s12  }
.Ltmp2:
0x8b: {  	[tilespmem:$0x15080] =	vst v9;
	(pc) =	sbr.rel @p0 .LBB2_1-.Ltmp2, $4  }
0x8c: {  	[hbm4b:s11+s6] =	stream.linear.scatter [tilespmem:s15], [sflag:$0x7], $0x100, $0x38;
	[tilespmem:$0x15100] =	vst v63  }
0x8d: {  	_ =	swait.ge [sflag:s16], $0x100  }
0x8e: {  	[sflag:s16] =	ssyncset.done $0x0  }
0x8f: {  	[sflag:s16] =	ssyncadd.s32 $0xFFFFFF00  }
0x90: {  	_ =	sfence.sel $0x180000  }
0x91: {  	[bflag:$0x0] =	sbarrier.arrive $0xFFFF  }
0x92: {  	p0 =	sne.s32 s0, $0x0;
	_ =	strace $0x90000047  }
0x93: {  	s0 =	sadd.s32 @!p0 $0x100000, s3;
	[bflag:$0x2] =	sbarrier.arrive $0xFFFF  }
0x94: {  	[sflag:s0] =	ssyncadd.tile.s32 @!p0 $0x1;
	_ =	shalt  }
.Lfunc_end2:
_tile_overlayer_lowered:
.L_overlay_start_2:
0x95: {  	(tag) =	ssettag $0x2  }
0x96: {  	s0 =	rddreg [dreg:$0x0];
	s2 =	stileid.u32  }
0x97: {  	s1 =	rddreg [dreg:$0x1];
	p0 =	sne.s32 s2, $0x0  }
0x98: {  	s3 =	rddreg [dreg:$0x2];
	[bflag:$0x3] =	sbarrier.arrive $0xFFFF;
	s2 =	simm.s32 @!p0 $0x1C07  }
0x99: {  	[timem:s3], [sflag:s2] =	dma.local @!p0 [hbm:s0], s1  }
0x9a: {  	s0 =	simm.s32 @!p0 $0x7  }
0x9b: {  	_ =	swait.ge @!p0 [sflag:s0], s1  }
0x9c: {  	s1 =	ssub.s32 @!p0 $0x0, s1;
	[sflag:s0] =	ssyncset.done @!p0 $0x0  }
0x9d: {  	[sflag:s0] =	ssyncadd.s32 @!p0 s1  }
0x9e: {  	[bflag:$0x3] =	sbarrier.arrive $0xFFFF  }
0x9f: {  	_ =	shalt  }

</sc_bundles>
